<compile_context>
chip_gen: v7x
topology: tpu7x:2x2x1
jax: 0.10.2.dev20260603
libtpu: 0.0.44.dev20260713+nightly
codegen_flags: <defaults>
</compile_context>

<pallas_src>
import functools

import jax
import jax.numpy as jnp
from jax import lax
from jax.experimental import pallas as pl
from jax.experimental.pallas import tpu as pltpu
from jax.experimental.pallas import tpu_sc as plsc

_LANES = 16
_TABLE_PAD = 128


@functools.lru_cache(maxsize=None)
def _build_lookup(n_rows: int, n_cols: int, table_size: int):
    info = plsc.get_sparse_core_info()
    nc, ns = info.num_cores, info.num_subcores
    nw = nc * ns
    cols_per_w = n_cols // nw
    assert cols_per_w * nw == n_cols

    chunk_cols = 128
    assert cols_per_w % chunk_cols == 0 and chunk_cols % _LANES == 0
    n_chunks = cols_per_w // chunk_cols
    vregs_per_row = chunk_cols // _LANES
    assert table_size <= _TABLE_PAD

    mesh = plsc.VectorSubcoreMesh(core_axis_name="c", subcore_axis_name="s")

    @functools.partial(
        pl.kernel,
        mesh=mesh,
        out_type=jax.ShapeDtypeStruct((n_rows, n_cols), jnp.int32),
        scratch_types=[
            pltpu.VMEM((_TABLE_PAD,), jnp.int32),
            pltpu.VMEM((n_rows, chunk_cols), jnp.int32),
            pltpu.VMEM((n_rows, chunk_cols), jnp.int32),
            pltpu.SemaphoreType.DMA,
            pltpu.SemaphoreType.DMA,
            pltpu.SemaphoreType.DMA,
            pltpu.SemaphoreType.DMA,
        ],
        compiler_params=pltpu.CompilerParams(needs_layout_passes=False),
    )
    def lookup(x_hbm, table_hbm, out_hbm, vals_v, buf_a, buf_b,
               in_sem_a, in_sem_b, out_sem_a, out_sem_b):
        wid = lax.axis_index("s") * nc + lax.axis_index("c")
        col0 = wid * cols_per_w

        bufs = (buf_a, buf_b)
        in_sems = (in_sem_a, in_sem_b)
        out_sems = (out_sem_a, out_sem_b)

        def in_copy(c):
            b = c % 2
            return pltpu.async_copy(
                x_hbm.at[:, pl.ds(col0 + c * chunk_cols, chunk_cols)],
                bufs[b], in_sems[b])

        def out_copy(c):
            b = c % 2
            return pltpu.async_copy(
                bufs[b],
                out_hbm.at[:, pl.ds(col0 + c * chunk_cols, chunk_cols)],
                out_sems[b])

        def translate(v):
            return plsc.load_gather(vals_v, [v & (_TABLE_PAD - 1)])

        in_cps = {0: in_copy(0)}
        pltpu.sync_copy(table_hbm, vals_v)
        out_cps = {}
        for c in range(n_chunks):
            b = c % 2
            if c + 1 < n_chunks:
                if c >= 1:
                    out_cps[c - 1].wait()
                in_cps[c + 1] = in_copy(c + 1)
            in_cps[c].wait()
            buf = bufs[b]

            @plsc.parallel_loop(0, n_rows, step=1, unroll=2)
            def _gather(r):
                for k in range(vregs_per_row):
                    sl = pl.ds(k * _LANES, _LANES)
                    buf[r, sl] = translate(buf[r, sl])

            out_cps[c] = out_copy(c)
        out_cps[n_chunks - 1].wait()

    return lookup


def kernel(x, values):
    table = jnp.pad(values, (0, _TABLE_PAD - values.shape[0]))
    xt = x.T
    lookup = _build_lookup(xt.shape[0], xt.shape[1], values.shape[0])
    return lookup(xt, table).T

# --- scband reference (transcript-rebuilt; emitter-appended) ---
"""Pipeline reference for scband-my-vocab-table-28140625724175 (READ-ONLY COPY).

The authoritative reference and input builder live on the scoring server;
editing this copy changes nothing except your own understanding.
"""

import jax, jax.numpy as jnp
import numpy as np

# MyVocabTable semantics:
#   keys   = [''] + vocab            (NUM_KEYS = len(vocab)+1 = 101)
#   values = range(NUM_KEYS)         (key at position i maps to id i)
#   num_oov_buckets = 1              (any unknown key -> id NUM_KEYS, i.e. 101)
# JAX has no string tensors, so the input x is modeled as the pre-hashed key
# position in [0, TABLE_SIZE): positions 0..100 are in-vocab keys, position 101
# is the single OOV bucket. The lookup is then a pure gather from the values
# table, which is exactly what StaticVocabularyTable.lookup performs.

NUM_KEYS = 101
NUM_OOV = 1
TABLE_SIZE = NUM_KEYS + NUM_OOV  # 102
BATCH = 16384
HIST = 200


def setup_inputs(seed: int = 0) -> dict:
    key = jax.random.key(seed)
    x = jax.random.randint(key, (BATCH, HIST), 0, TABLE_SIZE, dtype=jnp.int32)
    # the lookup table's value column: position i -> id i (in-vocab),
    # position NUM_KEYS -> OOV bucket id (== NUM_KEYS)
    values = jnp.arange(TABLE_SIZE, dtype=jnp.int32)
    return {"x": x, "values": values}


def reference(x, values):
    # StaticVocabularyTable.lookup: gather value for each key; OOV keys were
    # already hashed into the trailing bucket index.
    x_safe = jnp.clip(x, 0, TABLE_SIZE - 1)
    result = jnp.take(values, x_safe, axis=0)
    return result

if __name__ == "__main__":
    import jax
    _d = setup_inputs()
    print(jax.jit(kernel)(*tuple(_d.values())))

</pallas_src>

<mosaic_0001>
#map = affine_map<(d0, d1) -> (0, 0)>
#map1 = affine_map<(d0, d1) -> (0)>
module attributes {stable_mosaic.version = 14 : i64} {
  func.func @lookup(%arg0: i32, %arg1: i32, %arg2: memref<200x16384xi32, #tpu.memory_space<hbm>>, %arg3: memref<128xi32, #tpu.memory_space<hbm>>, %arg4: memref<200x16384xi32, #tpu.memory_space<hbm>>, %arg5: memref<128xi32, #tpu.memory_space<vmem>>, %arg6: memref<200x128xi32, #tpu.memory_space<vmem>>, %arg7: memref<200x128xi32, #tpu.memory_space<vmem>>, %arg8: memref<!tpu.dma_semaphore, #tpu.memory_space<semaphore_mem>>, %arg9: memref<!tpu.dma_semaphore, #tpu.memory_space<semaphore_mem>>, %arg10: memref<!tpu.dma_semaphore, #tpu.memory_space<semaphore_mem>>, %arg11: memref<!tpu.dma_semaphore, #tpu.memory_space<semaphore_mem>>) attributes {dimension_semantics = [#tpu.dimension_semantics<core_parallel>, #tpu.dimension_semantics<subcore_parallel>], iteration_bounds = array<i64: 2, 16>, scalar_prefetch = 0 : i64, scratch_operands = 7 : i64, tpu.core_type = #tpu.core_type<sc_vector_subcore>, window_params = [{transform_indices = #map}, {transform_indices = #map1}, {transform_indices = #map}]} {
    %mul3A = arith.constant 2 : i32
    %mul3A_0 = arith.muli %arg1, %mul3A : i32
    %add3A = arith.addi %mul3A_0, %arg0 : i32
    %mul3A_1 = arith.constant 512 : i32
    %mul3A_2 = arith.muli %add3A, %mul3A_1 : i32
    %add3A_3 = arith.constant 0 : i32
    %add3A_4 = arith.addi %mul3A_2, %add3A_3 : i32
    %dma_start3A = arith.constant 0 : i32
    %dma_start3A_5 = tpu.memref_slice %arg2[%dma_start3A, %add3A_4] : memref<200x16384xi32, #tpu.memory_space<hbm>> -> memref<200x128xi32, #tpu.memory_space<hbm>>
    %dma_start3A_6 = arith.constant 0 : i32
    %dma_start3A_7 = tpu.memref_slice %arg2[%dma_start3A_6, %add3A_4] : memref<200x16384xi32, #tpu.memory_space<hbm>> -> memref<200x128xi32, #tpu.memory_space<hbm>>
    tpu.enqueue_dma source(%dma_start3A_7 : memref<200x128xi32, #tpu.memory_space<hbm>>) target(%arg6 : memref<200x128xi32, #tpu.memory_space<vmem>>) target_semaphore(%arg8 : memref<!tpu.dma_semaphore, #tpu.memory_space<semaphore_mem>>)
    "tpu.region"() ({
      %run_scoped3A = tpu.sem_alloc : memref<!tpu.dma_semaphore, #tpu.memory_space<semaphore_mem>>
      tpu.enqueue_dma source(%arg3 : memref<128xi32, #tpu.memory_space<hbm>>) target(%arg5 : memref<128xi32, #tpu.memory_space<vmem>>) target_semaphore(%run_scoped3A : memref<!tpu.dma_semaphore, #tpu.memory_space<semaphore_mem>>)
      tpu.wait_dma2 semaphore(%run_scoped3A : memref<!tpu.dma_semaphore, #tpu.memory_space<semaphore_mem>>) src(%arg3 : memref<128xi32, #tpu.memory_space<hbm>>) dst(%arg5 : memref<128xi32, #tpu.memory_space<vmem>>)
      tpu.yield
    }) : () -> ()
    %add3A_8 = arith.constant 128 : i32
    %add3A_9 = arith.addi %mul3A_2, %add3A_8 : i32
    %dma_start3A_10 = arith.constant 0 : i32
    %dma_start3A_11 = tpu.memref_slice %arg2[%dma_start3A_10, %add3A_9] : memref<200x16384xi32, #tpu.memory_space<hbm>> -> memref<200x128xi32, #tpu.memory_space<hbm>>
    %dma_start3A_12 = arith.constant 0 : i32
    %dma_start3A_13 = tpu.memref_slice %arg2[%dma_start3A_12, %add3A_9] : memref<200x16384xi32, #tpu.memory_space<hbm>> -> memref<200x128xi32, #tpu.memory_space<hbm>>
    tpu.enqueue_dma source(%dma_start3A_13 : memref<200x128xi32, #tpu.memory_space<hbm>>) target(%arg7 : memref<200x128xi32, #tpu.memory_space<vmem>>) target_semaphore(%arg9 : memref<!tpu.dma_semaphore, #tpu.memory_space<semaphore_mem>>)
    %dma_wait3A = arith.constant 0 : i32
    %dma_wait3A_14 = tpu.memref_slice %arg2[%dma_wait3A, %add3A_4] : memref<200x16384xi32, #tpu.memory_space<hbm>> -> memref<200x128xi32, #tpu.memory_space<hbm>>
    %dma_wait3A_15 = arith.constant 0 : i32
    %dma_wait3A_16 = tpu.memref_slice %arg2[%dma_wait3A_15, %add3A_4] : memref<200x16384xi32, #tpu.memory_space<hbm>> -> memref<200x128xi32, #tpu.memory_space<hbm>>
    tpu.wait_dma2 semaphore(%arg8 : memref<!tpu.dma_semaphore, #tpu.memory_space<semaphore_mem>>) src(%dma_wait3A_16 : memref<200x128xi32, #tpu.memory_space<hbm>>) dst(%arg6 : memref<200x128xi32, #tpu.memory_space<vmem>>)
    %parallel_loop3A = arith.constant 0 : i32
    %parallel_loop3A_17 = arith.constant 200 : i32
    %parallel_loop3A_18 = arith.constant 1 : i32
    scf.for %parallel_loop3A_88 = %parallel_loop3A to %parallel_loop3A_17 step %parallel_loop3A_18  : i32 {
      %parallel_loop3A_89 = arith.index_cast %parallel_loop3A_88 : i32 to index
      %parallel_loop3A_90 = arith.constant 0 : index
      %parallel_loop3A_91 = tpu.vector_load %arg6[%parallel_loop3A_89, %parallel_loop3A_90] {strides = array<i32>} : memref<200x128xi32, #tpu.memory_space<vmem>>, vector<16xi32>,
      %parallel_loop3A_92 = arith.constant 127 : i32
      %parallel_loop3A_93 = vector.broadcast %parallel_loop3A_92 : i32 to vector<16xi32>
      %parallel_loop3A_94 = arith.andi %parallel_loop3A_91, %parallel_loop3A_93 : vector<16xi32>
      %parallel_loop3A_95 = tpu.vector_load_idx %arg5[%parallel_loop3A_94] : memref<128xi32, #tpu.memory_space<vmem>>[vector<16xi32>], vector<16xi32>,
      %parallel_loop3A_96 = arith.index_cast %parallel_loop3A_88 : i32 to index
      %parallel_loop3A_97 = arith.constant 0 : index
      %parallel_loop3A_98 = tpu.vector_load %arg6[%parallel_loop3A_96, %parallel_loop3A_97] {strides = array<i32>} : memref<200x128xi32, #tpu.memory_space<vmem>>, vector<16xi32>,
      tpu.vector_store %arg6[%parallel_loop3A_96, %parallel_loop3A_97], %parallel_loop3A_95 {strides = array<i32>} : memref<200x128xi32, #tpu.memory_space<vmem>>, vector<16xi32>,
      %parallel_loop3A_99 = arith.index_cast %parallel_loop3A_88 : i32 to index
      %parallel_loop3A_100 = arith.constant 16 : index
      %parallel_loop3A_101 = tpu.vector_load %arg6[%parallel_loop3A_99, %parallel_loop3A_100] {strides = array<i32>} : memref<200x128xi32, #tpu.memory_space<vmem>>, vector<16xi32>,
      %parallel_loop3A_102 = arith.constant 127 : i32
      %parallel_loop3A_103 = vector.broadcast %parallel_loop3A_102 : i32 to vector<16xi32>
      %parallel_loop3A_104 = arith.andi %parallel_loop3A_101, %parallel_loop3A_103 : vector<16xi32>
      %parallel_loop3A_105 = tpu.vector_load_idx %arg5[%parallel_loop3A_104] : memref<128xi32, #tpu.memory_space<vmem>>[vector<16xi32>], vector<16xi32>,
      %parallel_loop3A_106 = arith.index_cast %parallel_loop3A_88 : i32 to index
      %parallel_loop3A_107 = arith.constant 16 : index
      %parallel_loop3A_108 = tpu.vector_load %arg6[%parallel_loop3A_106, %parallel_loop3A_107] {strides = array<i32>} : memref<200x128xi32, #tpu.memory_space<vmem>>, vector<16xi32>,
      tpu.vector_store %arg6[%parallel_loop3A_106, %parallel_loop3A_107], %parallel_loop3A_105 {strides = array<i32>} : memref<200x128xi32, #tpu.memory_space<vmem>>, vector<16xi32>,
      %parallel_loop3A_109 = arith.index_cast %parallel_loop3A_88 : i32 to index
      %parallel_loop3A_110 = arith.constant 32 : index
      %parallel_loop3A_111 = tpu.vector_load %arg6[%parallel_loop3A_109, %parallel_loop3A_110] {strides = array<i32>} : memref<200x128xi32, #tpu.memory_space<vmem>>, vector<16xi32>,
      %parallel_loop3A_112 = arith.constant 127 : i32
      %parallel_loop3A_113 = vector.broadcast %parallel_loop3A_112 : i32 to vector<16xi32>
      %parallel_loop3A_114 = arith.andi %parallel_loop3A_111, %parallel_loop3A_113 : vector<16xi32>
      %parallel_loop3A_115 = tpu.vector_load_idx %arg5[%parallel_loop3A_114] : memref<128xi32, #tpu.memory_space<vmem>>[vector<16xi32>], vector<16xi32>,
      %parallel_loop3A_116 = arith.index_cast %parallel_loop3A_88 : i32 to index
      %parallel_loop3A_117 = arith.constant 32 : index
      %parallel_loop3A_118 = tpu.vector_load %arg6[%parallel_loop3A_116, %parallel_loop3A_117] {strides = array<i32>} : memref<200x128xi32, #tpu.memory_space<vmem>>, vector<16xi32>,
      tpu.vector_store %arg6[%parallel_loop3A_116, %parallel_loop3A_117], %parallel_loop3A_115 {strides = array<i32>} : memref<200x128xi32, #tpu.memory_space<vmem>>, vector<16xi32>,
      %parallel_loop3A_119 = arith.index_cast %parallel_loop3A_88 : i32 to index
      %parallel_loop3A_120 = arith.constant 48 : index
      %parallel_loop3A_121 = tpu.vector_load %arg6[%parallel_loop3A_119, %parallel_loop3A_120] {strides = array<i32>} : memref<200x128xi32, #tpu.memory_space<vmem>>, vector<16xi32>,
      %parallel_loop3A_122 = arith.constant 127 : i32
      %parallel_loop3A_123 = vector.broadcast %parallel_loop3A_122 : i32 to vector<16xi32>
      %parallel_loop3A_124 = arith.andi %parallel_loop3A_121, %parallel_loop3A_123 : vector<16xi32>
      %parallel_loop3A_125 = tpu.vector_load_idx %arg5[%parallel_loop3A_124] : memref<128xi32, #tpu.memory_space<vmem>>[vector<16xi32>], vector<16xi32>,
      %parallel_loop3A_126 = arith.index_cast %parallel_loop3A_88 : i32 to index
      %parallel_loop3A_127 = arith.constant 48 : index
      %parallel_loop3A_128 = tpu.vector_load %arg6[%parallel_loop3A_126, %parallel_loop3A_127] {strides = array<i32>} : memref<200x128xi32, #tpu.memory_space<vmem>>, vector<16xi32>,
      tpu.vector_store %arg6[%parallel_loop3A_126, %parallel_loop3A_127], %parallel_loop3A_125 {strides = array<i32>} : memref<200x128xi32, #tpu.memory_space<vmem>>, vector<16xi32>,
      %parallel_loop3A_129 = arith.index_cast %parallel_loop3A_88 : i32 to index
      %parallel_loop3A_130 = arith.constant 64 : index
      %parallel_loop3A_131 = tpu.vector_load %arg6[%parallel_loop3A_129, %parallel_loop3A_130] {strides = array<i32>} : memref<200x128xi32, #tpu.memory_space<vmem>>, vector<16xi32>,
      %parallel_loop3A_132 = arith.constant 127 : i32
      %parallel_loop3A_133 = vector.broadcast %parallel_loop3A_132 : i32 to vector<16xi32>
      %parallel_loop3A_134 = arith.andi %parallel_loop3A_131, %parallel_loop3A_133 : vector<16xi32>
      %parallel_loop3A_135 = tpu.vector_load_idx %arg5[%parallel_loop3A_134] : memref<128xi32, #tpu.memory_space<vmem>>[vector<16xi32>], vector<16xi32>,
      %parallel_loop3A_136 = arith.index_cast %parallel_loop3A_88 : i32 to index
      %parallel_loop3A_137 = arith.constant 64 : index
      %parallel_loop3A_138 = tpu.vector_load %arg6[%parallel_loop3A_136, %parallel_loop3A_137] {strides = array<i32>} : memref<200x128xi32, #tpu.memory_space<vmem>>, vector<16xi32>,
      tpu.vector_store %arg6[%parallel_loop3A_136, %parallel_loop3A_137], %parallel_loop3A_135 {strides = array<i32>} : memref<200x128xi32, #tpu.memory_space<vmem>>, vector<16xi32>,
      %parallel_loop3A_139 = arith.index_cast %parallel_loop3A_88 : i32 to index
      %parallel_loop3A_140 = arith.constant 80 : index
      %parallel_loop3A_141 = tpu.vector_load %arg6[%parallel_loop3A_139, %parallel_loop3A_140] {strides = array<i32>} : memref<200x128xi32, #tpu.memory_space<vmem>>, vector<16xi32>,
      %parallel_loop3A_142 = arith.constant 127 : i32
      %parallel_loop3A_143 = vector.broadcast %parallel_loop3A_142 : i32 to vector<16xi32>
      %parallel_loop3A_144 = arith.andi %parallel_loop3A_141, %parallel_loop3A_143 : vector<16xi32>
      %parallel_loop3A_145 = tpu.vector_load_idx %arg5[%parallel_loop3A_144] : memref<128xi32, #tpu.memory_space<vmem>>[vector<16xi32>], vector<16xi32>,
      %parallel_loop3A_146 = arith.index_cast %parallel_loop3A_88 : i32 to index
      %parallel_loop3A_147 = arith.constant 80 : index
      %parallel_loop3A_148 = tpu.vector_load %arg6[%parallel_loop3A_146, %parallel_loop3A_147] {strides = array<i32>} : memref<200x128xi32, #tpu.memory_space<vmem>>, vector<16xi32>,
      tpu.vector_store %arg6[%parallel_loop3A_146, %parallel_loop3A_147], %parallel_loop3A_145 {strides = array<i32>} : memref<200x128xi32, #tpu.memory_space<vmem>>, vector<16xi32>,
      %parallel_loop3A_149 = arith.index_cast %parallel_loop3A_88 : i32 to index
      %parallel_loop3A_150 = arith.constant 96 : index
      %parallel_loop3A_151 = tpu.vector_load %arg6[%parallel_loop3A_149, %parallel_loop3A_150] {strides = array<i32>} : memref<200x128xi32, #tpu.memory_space<vmem>>, vector<16xi32>,
      %parallel_loop3A_152 = arith.constant 127 : i32
      %parallel_loop3A_153 = vector.broadcast %parallel_loop3A_152 : i32 to vector<16xi32>
      %parallel_loop3A_154 = arith.andi %parallel_loop3A_151, %parallel_loop3A_153 : vector<16xi32>
      %parallel_loop3A_155 = tpu.vector_load_idx %arg5[%parallel_loop3A_154] : memref<128xi32, #tpu.memory_space<vmem>>[vector<16xi32>], vector<16xi32>,
      %parallel_loop3A_156 = arith.index_cast %parallel_loop3A_88 : i32 to index
      %parallel_loop3A_157 = arith.constant 96 : index
      %parallel_loop3A_158 = tpu.vector_load %arg6[%parallel_loop3A_156, %parallel_loop3A_157] {strides = array<i32>} : memref<200x128xi32, #tpu.memory_space<vmem>>, vector<16xi32>,
      tpu.vector_store %arg6[%parallel_loop3A_156, %parallel_loop3A_157], %parallel_loop3A_155 {strides = array<i32>} : memref<200x128xi32, #tpu.memory_space<vmem>>, vector<16xi32>,
      %parallel_loop3A_159 = arith.index_cast %parallel_loop3A_88 : i32 to index
      %parallel_loop3A_160 = arith.constant 112 : index
      %parallel_loop3A_161 = tpu.vector_load %arg6[%parallel_loop3A_159, %parallel_loop3A_160] {strides = array<i32>} : memref<200x128xi32, #tpu.memory_space<vmem>>, vector<16xi32>,
      %parallel_loop3A_162 = arith.constant 127 : i32
      %parallel_loop3A_163 = vector.broadcast %parallel_loop3A_162 : i32 to vector<16xi32>
      %parallel_loop3A_164 = arith.andi %parallel_loop3A_161, %parallel_loop3A_163 : vector<16xi32>
      %parallel_loop3A_165 = tpu.vector_load_idx %arg5[%parallel_loop3A_164] : memref<128xi32, #tpu.memory_space<vmem>>[vector<16xi32>], vector<16xi32>,
      %parallel_loop3A_166 = arith.index_cast %parallel_loop3A_88 : i32 to index
      %parallel_loop3A_167 = arith.constant 112 : index
      %parallel_loop3A_168 = tpu.vector_load %arg6[%parallel_loop3A_166, %parallel_loop3A_167] {strides = array<i32>} : memref<200x128xi32, #tpu.memory_space<vmem>>, vector<16xi32>,
      tpu.vector_store %arg6[%parallel_loop3A_166, %parallel_loop3A_167], %parallel_loop3A_165 {strides = array<i32>} : memref<200x128xi32, #tpu.memory_space<vmem>>, vector<16xi32>,
    } {sc.loop_unroll_factor = 2 : i64, sc.parallel_access}
    %add3A_19 = arith.constant 0 : i32
    %add3A_20 = arith.addi %mul3A_2, %add3A_19 : i32
    %dma_start3A_21 = arith.constant 0 : i32
    %dma_start3A_22 = tpu.memref_slice %arg4[%dma_start3A_21, %add3A_20] : memref<200x16384xi32, #tpu.memory_space<hbm>> -> memref<200x128xi32, #tpu.memory_space<hbm>>
    %dma_start3A_23 = arith.constant 0 : i32
    %dma_start3A_24 = tpu.memref_slice %arg4[%dma_start3A_23, %add3A_20] : memref<200x16384xi32, #tpu.memory_space<hbm>> -> memref<200x128xi32, #tpu.memory_space<hbm>>
    tpu.enqueue_dma source(%arg6 : memref<200x128xi32, #tpu.memory_space<vmem>>) target(%dma_start3A_24 : memref<200x128xi32, #tpu.memory_space<hbm>>) target_semaphore(%arg10 : memref<!tpu.dma_semaphore, #tpu.memory_space<semaphore_mem>>)
    %dma_wait3A_25 = arith.constant 0 : i32
    %dma_wait3A_26 = tpu.memref_slice %arg4[%dma_wait3A_25, %add3A_20] : memref<200x16384xi32, #tpu.memory_space<hbm>> -> memref<200x128xi32, #tpu.memory_space<hbm>>
    %dma_wait3A_27 = arith.constant 0 : i32
    %dma_wait3A_28 = tpu.memref_slice %arg4[%dma_wait3A_27, %add3A_20] : memref<200x16384xi32, #tpu.memory_space<hbm>> -> memref<200x128xi32, #tpu.memory_space<hbm>>
    tpu.wait_dma2 semaphore(%arg10 : memref<!tpu.dma_semaphore, #tpu.memory_space<semaphore_mem>>) src(%arg6 : memref<200x128xi32, #tpu.memory_space<vmem>>) dst(%dma_wait3A_28 : memref<200x128xi32, #tpu.memory_space<hbm>>)
    %add3A_29 = arith.constant 256 : i32
    %add3A_30 = arith.addi %mul3A_2, %add3A_29 : i32
    %dma_start3A_31 = arith.constant 0 : i32
    %dma_start3A_32 = tpu.memref_slice %arg2[%dma_start3A_31, %add3A_30] : memref<200x16384xi32, #tpu.memory_space<hbm>> -> memref<200x128xi32, #tpu.memory_space<hbm>>
    %dma_start3A_33 = arith.constant 0 : i32
    %dma_start3A_34 = tpu.memref_slice %arg2[%dma_start3A_33, %add3A_30] : memref<200x16384xi32, #tpu.memory_space<hbm>> -> memref<200x128xi32, #tpu.memory_space<hbm>>
    tpu.enqueue_dma source(%dma_start3A_34 : memref<200x128xi32, #tpu.memory_space<hbm>>) target(%arg6 : memref<200x128xi32, #tpu.memory_space<vmem>>) target_semaphore(%arg8 : memref<!tpu.dma_semaphore, #tpu.memory_space<semaphore_mem>>)
    %dma_wait3A_35 = arith.constant 0 : i32
    %dma_wait3A_36 = tpu.memref_slice %arg2[%dma_wait3A_35, %add3A_9] : memref<200x16384xi32, #tpu.memory_space<hbm>> -> memref<200x128xi32, #tpu.memory_space<hbm>>
    %dma_wait3A_37 = arith.constant 0 : i32
    %dma_wait3A_38 = tpu.memref_slice %arg2[%dma_wait3A_37, %add3A_9] : memref<200x16384xi32, #tpu.memory_space<hbm>> -> memref<200x128xi32, #tpu.memory_space<hbm>>
    tpu.wait_dma2 semaphore(%arg9 : memref<!tpu.dma_semaphore, #tpu.memory_space<semaphore_mem>>) src(%dma_wait3A_38 : memref<200x128xi32, #tpu.memory_space<hbm>>) dst(%arg7 : memref<200x128xi32, #tpu.memory_space<vmem>>)
    %parallel_loop3A_39 = arith.constant 0 : i32
    %parallel_loop3A_40 = arith.constant 200 : i32
    %parallel_loop3A_41 = arith.constant 1 : i32
    scf.for %parallel_loop3A_88 = %parallel_loop3A_39 to %parallel_loop3A_40 step %parallel_loop3A_41  : i32 {
      %parallel_loop3A_89 = arith.index_cast %parallel_loop3A_88 : i32 to index
      %parallel_loop3A_90 = arith.constant 0 : index
      %parallel_loop3A_91 = tpu.vector_load %arg7[%parallel_loop3A_89, %parallel_loop3A_90] {strides = array<i32>} : memref<200x128xi32, #tpu.memory_space<vmem>>, vector<16xi32>,
      %parallel_loop3A_92 = arith.constant 127 : i32
      %parallel_loop3A_93 = vector.broadcast %parallel_loop3A_92 : i32 to vector<16xi32>
      %parallel_loop3A_94 = arith.andi %parallel_loop3A_91, %parallel_loop3A_93 : vector<16xi32>
      %parallel_loop3A_95 = tpu.vector_load_idx %arg5[%parallel_loop3A_94] : memref<128xi32, #tpu.memory_space<vmem>>[vector<16xi32>], vector<16xi32>,
      %parallel_loop3A_96 = arith.index_cast %parallel_loop3A_88 : i32 to index
      %parallel_loop3A_97 = arith.constant 0 : index
      %parallel_loop3A_98 = tpu.vector_load %arg7[%parallel_loop3A_96, %parallel_loop3A_97] {strides = array<i32>} : memref<200x128xi32, #tpu.memory_space<vmem>>, vector<16xi32>,
      tpu.vector_store %arg7[%parallel_loop3A_96, %parallel_loop3A_97], %parallel_loop3A_95 {strides = array<i32>} : memref<200x128xi32, #tpu.memory_space<vmem>>, vector<16xi32>,
      %parallel_loop3A_99 = arith.index_cast %parallel_loop3A_88 : i32 to index
      %parallel_loop3A_100 = arith.constant 16 : index
      %parallel_loop3A_101 = tpu.vector_load %arg7[%parallel_loop3A_99, %parallel_loop3A_100] {strides = array<i32>} : memref<200x128xi32, #tpu.memory_space<vmem>>, vector<16xi32>,
      %parallel_loop3A_102 = arith.constant 127 : i32
      %parallel_loop3A_103 = vector.broadcast %parallel_loop3A_102 : i32 to vector<16xi32>
      %parallel_loop3A_104 = arith.andi %parallel_loop3A_101, %parallel_loop3A_103 : vector<16xi32>
      %parallel_loop3A_105 = tpu.vector_load_idx %arg5[%parallel_loop3A_104] : memref<128xi32, #tpu.memory_space<vmem>>[vector<16xi32>], vector<16xi32>,
      %parallel_loop3A_106 = arith.index_cast %parallel_loop3A_88 : i32 to index
      %parallel_loop3A_107 = arith.constant 16 : index
      %parallel_loop3A_108 = tpu.vector_load %arg7[%parallel_loop3A_106, %parallel_loop3A_107] {strides = array<i32>} : memref<200x128xi32, #tpu.memory_space<vmem>>, vector<16xi32>,
      tpu.vector_store %arg7[%parallel_loop3A_106, %parallel_loop3A_107], %parallel_loop3A_105 {strides = array<i32>} : memref<200x128xi32, #tpu.memory_space<vmem>>, vector<16xi32>,
      %parallel_loop3A_109 = arith.index_cast %parallel_loop3A_88 : i32 to index
      %parallel_loop3A_110 = arith.constant 32 : index
      %parallel_loop3A_111 = tpu.vector_load %arg7[%parallel_loop3A_109, %parallel_loop3A_110] {strides = array<i32>} : memref<200x128xi32, #tpu.memory_space<vmem>>, vector<16xi32>,
      %parallel_loop3A_112 = arith.constant 127 : i32
      %parallel_loop3A_113 = vector.broadcast %parallel_loop3A_112 : i32 to vector<16xi32>
      %parallel_loop3A_114 = arith.andi %parallel_loop3A_111, %parallel_loop3A_113 : vector<16xi32>
      %parallel_loop3A_115 = tpu.vector_load_idx %arg5[%parallel_loop3A_114] : memref<128xi32, #tpu.memory_space<vmem>>[vector<16xi32>], vector<16xi32>,
      %parallel_loop3A_116 = arith.index_cast %parallel_loop3A_88 : i32 to index
      %parallel_loop3A_117 = arith.constant 32 : index
      %parallel_loop3A_118 = tpu.vector_load %arg7[%parallel_loop3A_116, %parallel_loop3A_117] {strides = array<i32>} : memref<200x128xi32, #tpu.memory_space<vmem>>, vector<16xi32>,
      tpu.vector_store %arg7[%parallel_loop3A_116, %parallel_loop3A_117], %parallel_loop3A_115 {strides = array<i32>} : memref<200x128xi32, #tpu.memory_space<vmem>>, vector<16xi32>,
      %parallel_loop3A_119 = arith.index_cast %parallel_loop3A_88 : i32 to index
      %parallel_loop3A_120 = arith.constant 48 : index
      %parallel_loop3A_121 = tpu.vector_load %arg7[%parallel_loop3A_119, %parallel_loop3A_120] {strides = array<i32>} : memref<200x128xi32, #tpu.memory_space<vmem>>, vector<16xi32>,
      %parallel_loop3A_122 = arith.constant 127 : i32
      %parallel_loop3A_123 = vector.broadcast %parallel_loop3A_122 : i32 to vector<16xi32>
      %parallel_loop3A_124 = arith.andi %parallel_loop3A_121, %parallel_loop3A_123 : vector<16xi32>
      %parallel_loop3A_125 = tpu.vector_load_idx %arg5[%parallel_loop3A_124] : memref<128xi32, #tpu.memory_space<vmem>>[vector<16xi32>], vector<16xi32>,
      %parallel_loop3A_126 = arith.index_cast %parallel_loop3A_88 : i32 to index
      %parallel_loop3A_127 = arith.constant 48 : index
      %parallel_loop3A_128 = tpu.vector_load %arg7[%parallel_loop3A_126, %parallel_loop3A_127] {strides = array<i32>} : memref<200x128xi32, #tpu.memory_space<vmem>>, vector<16xi32>,
      tpu.vector_store %arg7[%parallel_loop3A_126, %parallel_loop3A_127], %parallel_loop3A_125 {strides = array<i32>} : memref<200x128xi32, #tpu.memory_space<vmem>>, vector<16xi32>,
      %parallel_loop3A_129 = arith.index_cast %parallel_loop3A_88 : i32 to index
      %parallel_loop3A_130 = arith.constant 64 : index
      %parallel_loop3A_131 = tpu.vector_load %arg7[%parallel_loop3A_129, %parallel_loop3A_130] {strides = array<i32>} : memref<200x128xi32, #tpu.memory_space<vmem>>, vector<16xi32>,
      %parallel_loop3A_132 = arith.constant 127 : i32
      %parallel_loop3A_133 = vector.broadcast %parallel_loop3A_132 : i32 to vector<16xi32>
      %parallel_loop3A_134 = arith.andi %parallel_loop3A_131, %parallel_loop3A_133 : vector<16xi32>
      %parallel_loop3A_135 = tpu.vector_load_idx %arg5[%parallel_loop3A_134] : memref<128xi32, #tpu.memory_space<vmem>>[vector<16xi32>], vector<16xi32>,
      %parallel_loop3A_136 = arith.index_cast %parallel_loop3A_88 : i32 to index
      %parallel_loop3A_137 = arith.constant 64 : index
      %parallel_loop3A_138 = tpu.vector_load %arg7[%parallel_loop3A_136, %parallel_loop3A_137] {strides = array<i32>} : memref<200x128xi32, #tpu.memory_space<vmem>>, vector<16xi32>,
      tpu.vector_store %arg7[%parallel_loop3A_136, %parallel_loop3A_137], %parallel_loop3A_135 {strides = array<i32>} : memref<200x128xi32, #tpu.memory_space<vmem>>, vector<16xi32>,
      %parallel_loop3A_139 = arith.index_cast %parallel_loop3A_88 : i32 to index
      %parallel_loop3A_140 = arith.constant 80 : index
      %parallel_loop3A_141 = tpu.vector_load %arg7[%parallel_loop3A_139, %parallel_loop3A_140] {strides = array<i32>} : memref<200x128xi32, #tpu.memory_space<vmem>>, vector<16xi32>,
      %parallel_loop3A_142 = arith.constant 127 : i32
      %parallel_loop3A_143 = vector.broadcast %parallel_loop3A_142 : i32 to vector<16xi32>
      %parallel_loop3A_144 = arith.andi %parallel_loop3A_141, %parallel_loop3A_143 : vector<16xi32>
      %parallel_loop3A_145 = tpu.vector_load_idx %arg5[%parallel_loop3A_144] : memref<128xi32, #tpu.memory_space<vmem>>[vector<16xi32>], vector<16xi32>,
      %parallel_loop3A_146 = arith.index_cast %parallel_loop3A_88 : i32 to index
      %parallel_loop3A_147 = arith.constant 80 : index
      %parallel_loop3A_148 = tpu.vector_load %arg7[%parallel_loop3A_146, %parallel_loop3A_147] {strides = array<i32>} : memref<200x128xi32, #tpu.memory_space<vmem>>, vector<16xi32>,
      tpu.vector_store %arg7[%parallel_loop3A_146, %parallel_loop3A_147], %parallel_loop3A_145 {strides = array<i32>} : memref<200x128xi32, #tpu.memory_space<vmem>>, vector<16xi32>,
      %parallel_loop3A_149 = arith.index_cast %parallel_loop3A_88 : i32 to index
      %parallel_loop3A_150 = arith.constant 96 : index
      %parallel_loop3A_151 = tpu.vector_load %arg7[%parallel_loop3A_149, %parallel_loop3A_150] {strides = array<i32>} : memref<200x128xi32, #tpu.memory_space<vmem>>, vector<16xi32>,
      %parallel_loop3A_152 = arith.constant 127 : i32
      %parallel_loop3A_153 = vector.broadcast %parallel_loop3A_152 : i32 to vector<16xi32>
      %parallel_loop3A_154 = arith.andi %parallel_loop3A_151, %parallel_loop3A_153 : vector<16xi32>
      %parallel_loop3A_155 = tpu.vector_load_idx %arg5[%parallel_loop3A_154] : memref<128xi32, #tpu.memory_space<vmem>>[vector<16xi32>], vector<16xi32>,
      %parallel_loop3A_156 = arith.index_cast %parallel_loop3A_88 : i32 to index
      %parallel_loop3A_157 = arith.constant 96 : index
      %parallel_loop3A_158 = tpu.vector_load %arg7[%parallel_loop3A_156, %parallel_loop3A_157] {strides = array<i32>} : memref<200x128xi32, #tpu.memory_space<vmem>>, vector<16xi32>,
      tpu.vector_store %arg7[%parallel_loop3A_156, %parallel_loop3A_157], %parallel_loop3A_155 {strides = array<i32>} : memref<200x128xi32, #tpu.memory_space<vmem>>, vector<16xi32>,
      %parallel_loop3A_159 = arith.index_cast %parallel_loop3A_88 : i32 to index
      %parallel_loop3A_160 = arith.constant 112 : index
      %parallel_loop3A_161 = tpu.vector_load %arg7[%parallel_loop3A_159, %parallel_loop3A_160] {strides = array<i32>} : memref<200x128xi32, #tpu.memory_space<vmem>>, vector<16xi32>,
      %parallel_loop3A_162 = arith.constant 127 : i32
      %parallel_loop3A_163 = vector.broadcast %parallel_loop3A_162 : i32 to vector<16xi32>
      %parallel_loop3A_164 = arith.andi %parallel_loop3A_161, %parallel_loop3A_163 : vector<16xi32>
      %parallel_loop3A_165 = tpu.vector_load_idx %arg5[%parallel_loop3A_164] : memref<128xi32, #tpu.memory_space<vmem>>[vector<16xi32>], vector<16xi32>,
      %parallel_loop3A_166 = arith.index_cast %parallel_loop3A_88 : i32 to index
      %parallel_loop3A_167 = arith.constant 112 : index
      %parallel_loop3A_168 = tpu.vector_load %arg7[%parallel_loop3A_166, %parallel_loop3A_167] {strides = array<i32>} : memref<200x128xi32, #tpu.memory_space<vmem>>, vector<16xi32>,
      tpu.vector_store %arg7[%parallel_loop3A_166, %parallel_loop3A_167], %parallel_loop3A_165 {strides = array<i32>} : memref<200x128xi32, #tpu.memory_space<vmem>>, vector<16xi32>,
    } {sc.loop_unroll_factor = 2 : i64, sc.parallel_access}
    %add3A_42 = arith.constant 128 : i32
    %add3A_43 = arith.addi %mul3A_2, %add3A_42 : i32
    %dma_start3A_44 = arith.constant 0 : i32
    %dma_start3A_45 = tpu.memref_slice %arg4[%dma_start3A_44, %add3A_43] : memref<200x16384xi32, #tpu.memory_space<hbm>> -> memref<200x128xi32, #tpu.memory_space<hbm>>
    %dma_start3A_46 = arith.constant 0 : i32
    %dma_start3A_47 = tpu.memref_slice %arg4[%dma_start3A_46, %add3A_43] : memref<200x16384xi32, #tpu.memory_space<hbm>> -> memref<200x128xi32, #tpu.memory_space<hbm>>
    tpu.enqueue_dma source(%arg7 : memref<200x128xi32, #tpu.memory_space<vmem>>) target(%dma_start3A_47 : memref<200x128xi32, #tpu.memory_space<hbm>>) target_semaphore(%arg11 : memref<!tpu.dma_semaphore, #tpu.memory_space<semaphore_mem>>)
    %dma_wait3A_48 = arith.constant 0 : i32
    %dma_wait3A_49 = tpu.memref_slice %arg4[%dma_wait3A_48, %add3A_43] : memref<200x16384xi32, #tpu.memory_space<hbm>> -> memref<200x128xi32, #tpu.memory_space<hbm>>
    %dma_wait3A_50 = arith.constant 0 : i32
    %dma_wait3A_51 = tpu.memref_slice %arg4[%dma_wait3A_50, %add3A_43] : memref<200x16384xi32, #tpu.memory_space<hbm>> -> memref<200x128xi32, #tpu.memory_space<hbm>>
    tpu.wait_dma2 semaphore(%arg11 : memref<!tpu.dma_semaphore, #tpu.memory_space<semaphore_mem>>) src(%arg7 : memref<200x128xi32, #tpu.memory_space<vmem>>) dst(%dma_wait3A_51 : memref<200x128xi32, #tpu.memory_space<hbm>>)
    %add3A_52 = arith.constant 384 : i32
    %add3A_53 = arith.addi %mul3A_2, %add3A_52 : i32
    %dma_start3A_54 = arith.constant 0 : i32
    %dma_start3A_55 = tpu.memref_slice %arg2[%dma_start3A_54, %add3A_53] : memref<200x16384xi32, #tpu.memory_space<hbm>> -> memref<200x128xi32, #tpu.memory_space<hbm>>
    %dma_start3A_56 = arith.constant 0 : i32
    %dma_start3A_57 = tpu.memref_slice %arg2[%dma_start3A_56, %add3A_53] : memref<200x16384xi32, #tpu.memory_space<hbm>> -> memref<200x128xi32, #tpu.memory_space<hbm>>
    tpu.enqueue_dma source(%dma_start3A_57 : memref<200x128xi32, #tpu.memory_space<hbm>>) target(%arg7 : memref<200x128xi32, #tpu.memory_space<vmem>>) target_semaphore(%arg9 : memref<!tpu.dma_semaphore, #tpu.memory_space<semaphore_mem>>)
    %dma_wait3A_58 = arith.constant 0 : i32
    %dma_wait3A_59 = tpu.memref_slice %arg2[%dma_wait3A_58, %add3A_30] : memref<200x16384xi32, #tpu.memory_space<hbm>> -> memref<200x128xi32, #tpu.memory_space<hbm>>
    %dma_wait3A_60 = arith.constant 0 : i32
    %dma_wait3A_61 = tpu.memref_slice %arg2[%dma_wait3A_60, %add3A_30] : memref<200x16384xi32, #tpu.memory_space<hbm>> -> memref<200x128xi32, #tpu.memory_space<hbm>>
    tpu.wait_dma2 semaphore(%arg8 : memref<!tpu.dma_semaphore, #tpu.memory_space<semaphore_mem>>) src(%dma_wait3A_61 : memref<200x128xi32, #tpu.memory_space<hbm>>) dst(%arg6 : memref<200x128xi32, #tpu.memory_space<vmem>>)
    %parallel_loop3A_62 = arith.constant 0 : i32
    %parallel_loop3A_63 = arith.constant 200 : i32
    %parallel_loop3A_64 = arith.constant 1 : i32
    scf.for %parallel_loop3A_88 = %parallel_loop3A_62 to %parallel_loop3A_63 step %parallel_loop3A_64  : i32 {
      %parallel_loop3A_89 = arith.index_cast %parallel_loop3A_88 : i32 to index
      %parallel_loop3A_90 = arith.constant 0 : index
      %parallel_loop3A_91 = tpu.vector_load %arg6[%parallel_loop3A_89, %parallel_loop3A_90] {strides = array<i32>} : memref<200x128xi32, #tpu.memory_space<vmem>>, vector<16xi32>,
      %parallel_loop3A_92 = arith.constant 127 : i32
      %parallel_loop3A_93 = vector.broadcast %parallel_loop3A_92 : i32 to vector<16xi32>
      %parallel_loop3A_94 = arith.andi %parallel_loop3A_91, %parallel_loop3A_93 : vector<16xi32>
      %parallel_loop3A_95 = tpu.vector_load_idx %arg5[%parallel_loop3A_94] : memref<128xi32, #tpu.memory_space<vmem>>[vector<16xi32>], vector<16xi32>,
      %parallel_loop3A_96 = arith.index_cast %parallel_loop3A_88 : i32 to index
      %parallel_loop3A_97 = arith.constant 0 : index
      %parallel_loop3A_98 = tpu.vector_load %arg6[%parallel_loop3A_96, %parallel_loop3A_97] {strides = array<i32>} : memref<200x128xi32, #tpu.memory_space<vmem>>, vector<16xi32>,
      tpu.vector_store %arg6[%parallel_loop3A_96, %parallel_loop3A_97], %parallel_loop3A_95 {strides = array<i32>} : memref<200x128xi32, #tpu.memory_space<vmem>>, vector<16xi32>,
      %parallel_loop3A_99 = arith.index_cast %parallel_loop3A_88 : i32 to index
      %parallel_loop3A_100 = arith.constant 16 : index
      %parallel_loop3A_101 = tpu.vector_load %arg6[%parallel_loop3A_99, %parallel_loop3A_100] {strides = array<i32>} : memref<200x128xi32, #tpu.memory_space<vmem>>, vector<16xi32>,
      %parallel_loop3A_102 = arith.constant 127 : i32
      %parallel_loop3A_103 = vector.broadcast %parallel_loop3A_102 : i32 to vector<16xi32>
      %parallel_loop3A_104 = arith.andi %parallel_loop3A_101, %parallel_loop3A_103 : vector<16xi32>
      %parallel_loop3A_105 = tpu.vector_load_idx %arg5[%parallel_loop3A_104] : memref<128xi32, #tpu.memory_space<vmem>>[vector<16xi32>], vector<16xi32>,
      %parallel_loop3A_106 = arith.index_cast %parallel_loop3A_88 : i32 to index
      %parallel_loop3A_107 = arith.constant 16 : index
      %parallel_loop3A_108 = tpu.vector_load %arg6[%parallel_loop3A_106, %parallel_loop3A_107] {strides = array<i32>} : memref<200x128xi32, #tpu.memory_space<vmem>>, vector<16xi32>,
      tpu.vector_store %arg6[%parallel_loop3A_106, %parallel_loop3A_107], %parallel_loop3A_105 {strides = array<i32>} : memref<200x128xi32, #tpu.memory_space<vmem>>, vector<16xi32>,
      %parallel_loop3A_109 = arith.index_cast %parallel_loop3A_88 : i32 to index
      %parallel_loop3A_110 = arith.constant 32 : index
      %parallel_loop3A_111 = tpu.vector_load %arg6[%parallel_loop3A_109, %parallel_loop3A_110] {strides = array<i32>} : memref<200x128xi32, #tpu.memory_space<vmem>>, vector<16xi32>,
      %parallel_loop3A_112 = arith.constant 127 : i32
      %parallel_loop3A_113 = vector.broadcast %parallel_loop3A_112 : i32 to vector<16xi32>
      %parallel_loop3A_114 = arith.andi %parallel_loop3A_111, %parallel_loop3A_113 : vector<16xi32>
      %parallel_loop3A_115 = tpu.vector_load_idx %arg5[%parallel_loop3A_114] : memref<128xi32, #tpu.memory_space<vmem>>[vector<16xi32>], vector<16xi32>,
      %parallel_loop3A_116 = arith.index_cast %parallel_loop3A_88 : i32 to index
      %parallel_loop3A_117 = arith.constant 32 : index
      %parallel_loop3A_118 = tpu.vector_load %arg6[%parallel_loop3A_116, %parallel_loop3A_117] {strides = array<i32>} : memref<200x128xi32, #tpu.memory_space<vmem>>, vector<16xi32>,
      tpu.vector_store %arg6[%parallel_loop3A_116, %parallel_loop3A_117], %parallel_loop3A_115 {strides = array<i32>} : memref<200x128xi32, #tpu.memory_space<vmem>>, vector<16xi32>,
      %parallel_loop3A_119 = arith.index_cast %parallel_loop3A_88 : i32 to index
      %parallel_loop3A_120 = arith.constant 48 : index
      %parallel_loop3A_121 = tpu.vector_load %arg6[%parallel_loop3A_119, %parallel_loop3A_120] {strides = array<i32>} : memref<200x128xi32, #tpu.memory_space<vmem>>, vector<16xi32>,
      %parallel_loop3A_122 = arith.constant 127 : i32
      %parallel_loop3A_123 = vector.broadcast %parallel_loop3A_122 : i32 to vector<16xi32>
      %parallel_loop3A_124 = arith.andi %parallel_loop3A_121, %parallel_loop3A_123 : vector<16xi32>
      %parallel_loop3A_125 = tpu.vector_load_idx %arg5[%parallel_loop3A_124] : memref<128xi32, #tpu.memory_space<vmem>>[vector<16xi32>], vector<16xi32>,
      %parallel_loop3A_126 = arith.index_cast %parallel_loop3A_88 : i32 to index
      %parallel_loop3A_127 = arith.constant 48 : index
      %parallel_loop3A_128 = tpu.vector_load %arg6[%parallel_loop3A_126, %parallel_loop3A_127] {strides = array<i32>} : memref<200x128xi32, #tpu.memory_space<vmem>>, vector<16xi32>,
      tpu.vector_store %arg6[%parallel_loop3A_126, %parallel_loop3A_127], %parallel_loop3A_125 {strides = array<i32>} : memref<200x128xi32, #tpu.memory_space<vmem>>, vector<16xi32>,
      %parallel_loop3A_129 = arith.index_cast %parallel_loop3A_88 : i32 to index
      %parallel_loop3A_130 = arith.constant 64 : index
      %parallel_loop3A_131 = tpu.vector_load %arg6[%parallel_loop3A_129, %parallel_loop3A_130] {strides = array<i32>} : memref<200x128xi32, #tpu.memory_space<vmem>>, vector<16xi32>,
      %parallel_loop3A_132 = arith.constant 127 : i32
      %parallel_loop3A_133 = vector.broadcast %parallel_loop3A_132 : i32 to vector<16xi32>
      %parallel_loop3A_134 = arith.andi %parallel_loop3A_131, %parallel_loop3A_133 : vector<16xi32>
      %parallel_loop3A_135 = tpu.vector_load_idx %arg5[%parallel_loop3A_134] : memref<128xi32, #tpu.memory_space<vmem>>[vector<16xi32>], vector<16xi32>,
      %parallel_loop3A_136 = arith.index_cast %parallel_loop3A_88 : i32 to index
      %parallel_loop3A_137 = arith.constant 64 : index
      %parallel_loop3A_138 = tpu.vector_load %arg6[%parallel_loop3A_136, %parallel_loop3A_137] {strides = array<i32>} : memref<200x128xi32, #tpu.memory_space<vmem>>, vector<16xi32>,
      tpu.vector_store %arg6[%parallel_loop3A_136, %parallel_loop3A_137], %parallel_loop3A_135 {strides = array<i32>} : memref<200x128xi32, #tpu.memory_space<vmem>>, vector<16xi32>,
      %parallel_loop3A_139 = arith.index_cast %parallel_loop3A_88 : i32 to index
      %parallel_loop3A_140 = arith.constant 80 : index
      %parallel_loop3A_141 = tpu.vector_load %arg6[%parallel_loop3A_139, %parallel_loop3A_140] {strides = array<i32>} : memref<200x128xi32, #tpu.memory_space<vmem>>, vector<16xi32>,
      %parallel_loop3A_142 = arith.constant 127 : i32
      %parallel_loop3A_143 = vector.broadcast %parallel_loop3A_142 : i32 to vector<16xi32>
      %parallel_loop3A_144 = arith.andi %parallel_loop3A_141, %parallel_loop3A_143 : vector<16xi32>
      %parallel_loop3A_145 = tpu.vector_load_idx %arg5[%parallel_loop3A_144] : memref<128xi32, #tpu.memory_space<vmem>>[vector<16xi32>], vector<16xi32>,
      %parallel_loop3A_146 = arith.index_cast %parallel_loop3A_88 : i32 to index
      %parallel_loop3A_147 = arith.constant 80 : index
      %parallel_loop3A_148 = tpu.vector_load %arg6[%parallel_loop3A_146, %parallel_loop3A_147] {strides = array<i32>} : memref<200x128xi32, #tpu.memory_space<vmem>>, vector<16xi32>,
      tpu.vector_store %arg6[%parallel_loop3A_146, %parallel_loop3A_147], %parallel_loop3A_145 {strides = array<i32>} : memref<200x128xi32, #tpu.memory_space<vmem>>, vector<16xi32>,
      %parallel_loop3A_149 = arith.index_cast %parallel_loop3A_88 : i32 to index
      %parallel_loop3A_150 = arith.constant 96 : index
      %parallel_loop3A_151 = tpu.vector_load %arg6[%parallel_loop3A_149, %parallel_loop3A_150] {strides = array<i32>} : memref<200x128xi32, #tpu.memory_space<vmem>>, vector<16xi32>,
      %parallel_loop3A_152 = arith.constant 127 : i32
      %parallel_loop3A_153 = vector.broadcast %parallel_loop3A_152 : i32 to vector<16xi32>
      %parallel_loop3A_154 = arith.andi %parallel_loop3A_151, %parallel_loop3A_153 : vector<16xi32>
      %parallel_loop3A_155 = tpu.vector_load_idx %arg5[%parallel_loop3A_154] : memref<128xi32, #tpu.memory_space<vmem>>[vector<16xi32>], vector<16xi32>,
      %parallel_loop3A_156 = arith.index_cast %parallel_loop3A_88 : i32 to index
      %parallel_loop3A_157 = arith.constant 96 : index
      %parallel_loop3A_158 = tpu.vector_load %arg6[%parallel_loop3A_156, %parallel_loop3A_157] {strides = array<i32>} : memref<200x128xi32, #tpu.memory_space<vmem>>, vector<16xi32>,
      tpu.vector_store %arg6[%parallel_loop3A_156, %parallel_loop3A_157], %parallel_loop3A_155 {strides = array<i32>} : memref<200x128xi32, #tpu.memory_space<vmem>>, vector<16xi32>,
      %parallel_loop3A_159 = arith.index_cast %parallel_loop3A_88 : i32 to index
      %parallel_loop3A_160 = arith.constant 112 : index
      %parallel_loop3A_161 = tpu.vector_load %arg6[%parallel_loop3A_159, %parallel_loop3A_160] {strides = array<i32>} : memref<200x128xi32, #tpu.memory_space<vmem>>, vector<16xi32>,
      %parallel_loop3A_162 = arith.constant 127 : i32
      %parallel_loop3A_163 = vector.broadcast %parallel_loop3A_162 : i32 to vector<16xi32>
      %parallel_loop3A_164 = arith.andi %parallel_loop3A_161, %parallel_loop3A_163 : vector<16xi32>
      %parallel_loop3A_165 = tpu.vector_load_idx %arg5[%parallel_loop3A_164] : memref<128xi32, #tpu.memory_space<vmem>>[vector<16xi32>], vector<16xi32>,
      %parallel_loop3A_166 = arith.index_cast %parallel_loop3A_88 : i32 to index
      %parallel_loop3A_167 = arith.constant 112 : index
      %parallel_loop3A_168 = tpu.vector_load %arg6[%parallel_loop3A_166, %parallel_loop3A_167] {strides = array<i32>} : memref<200x128xi32, #tpu.memory_space<vmem>>, vector<16xi32>,
      tpu.vector_store %arg6[%parallel_loop3A_166, %parallel_loop3A_167], %parallel_loop3A_165 {strides = array<i32>} : memref<200x128xi32, #tpu.memory_space<vmem>>, vector<16xi32>,
    } {sc.loop_unroll_factor = 2 : i64, sc.parallel_access}
    %add3A_65 = arith.constant 256 : i32
    %add3A_66 = arith.addi %mul3A_2, %add3A_65 : i32
    %dma_start3A_67 = arith.constant 0 : i32
    %dma_start3A_68 = tpu.memref_slice %arg4[%dma_start3A_67, %add3A_66] : memref<200x16384xi32, #tpu.memory_space<hbm>> -> memref<200x128xi32, #tpu.memory_space<hbm>>
    %dma_start3A_69 = arith.constant 0 : i32
    %dma_start3A_70 = tpu.memref_slice %arg4[%dma_start3A_69, %add3A_66] : memref<200x16384xi32, #tpu.memory_space<hbm>> -> memref<200x128xi32, #tpu.memory_space<hbm>>
    tpu.enqueue_dma source(%arg6 : memref<200x128xi32, #tpu.memory_space<vmem>>) target(%dma_start3A_70 : memref<200x128xi32, #tpu.memory_space<hbm>>) target_semaphore(%arg10 : memref<!tpu.dma_semaphore, #tpu.memory_space<semaphore_mem>>)
    %dma_wait3A_71 = arith.constant 0 : i32
    %dma_wait3A_72 = tpu.memref_slice %arg2[%dma_wait3A_71, %add3A_53] : memref<200x16384xi32, #tpu.memory_space<hbm>> -> memref<200x128xi32, #tpu.memory_space<hbm>>
    %dma_wait3A_73 = arith.constant 0 : i32
    %dma_wait3A_74 = tpu.memref_slice %arg2[%dma_wait3A_73, %add3A_53] : memref<200x16384xi32, #tpu.memory_space<hbm>> -> memref<200x128xi32, #tpu.memory_space<hbm>>
    tpu.wait_dma2 semaphore(%arg9 : memref<!tpu.dma_semaphore, #tpu.memory_space<semaphore_mem>>) src(%dma_wait3A_74 : memref<200x128xi32, #tpu.memory_space<hbm>>) dst(%arg7 : memref<200x128xi32, #tpu.memory_space<vmem>>)
    %parallel_loop3A_75 = arith.constant 0 : i32
    %parallel_loop3A_76 = arith.constant 200 : i32
    %parallel_loop3A_77 = arith.constant 1 : i32
    scf.for %parallel_loop3A_88 = %parallel_loop3A_75 to %parallel_loop3A_76 step %parallel_loop3A_77  : i32 {
      %parallel_loop3A_89 = arith.index_cast %parallel_loop3A_88 : i32 to index
      %parallel_loop3A_90 = arith.constant 0 : index
      %parallel_loop3A_91 = tpu.vector_load %arg7[%parallel_loop3A_89, %parallel_loop3A_90] {strides = array<i32>} : memref<200x128xi32, #tpu.memory_space<vmem>>, vector<16xi32>,
      %parallel_loop3A_92 = arith.constant 127 : i32
      %parallel_loop3A_93 = vector.broadcast %parallel_loop3A_92 : i32 to vector<16xi32>
      %parallel_loop3A_94 = arith.andi %parallel_loop3A_91, %parallel_loop3A_93 : vector<16xi32>
      %parallel_loop3A_95 = tpu.vector_load_idx %arg5[%parallel_loop3A_94] : memref<128xi32, #tpu.memory_space<vmem>>[vector<16xi32>], vector<16xi32>,
      %parallel_loop3A_96 = arith.index_cast %parallel_loop3A_88 : i32 to index
      %parallel_loop3A_97 = arith.constant 0 : index
      %parallel_loop3A_98 = tpu.vector_load %arg7[%parallel_loop3A_96, %parallel_loop3A_97] {strides = array<i32>} : memref<200x128xi32, #tpu.memory_space<vmem>>, vector<16xi32>,
      tpu.vector_store %arg7[%parallel_loop3A_96, %parallel_loop3A_97], %parallel_loop3A_95 {strides = array<i32>} : memref<200x128xi32, #tpu.memory_space<vmem>>, vector<16xi32>,
      %parallel_loop3A_99 = arith.index_cast %parallel_loop3A_88 : i32 to index
      %parallel_loop3A_100 = arith.constant 16 : index
      %parallel_loop3A_101 = tpu.vector_load %arg7[%parallel_loop3A_99, %parallel_loop3A_100] {strides = array<i32>} : memref<200x128xi32, #tpu.memory_space<vmem>>, vector<16xi32>,
      %parallel_loop3A_102 = arith.constant 127 : i32
      %parallel_loop3A_103 = vector.broadcast %parallel_loop3A_102 : i32 to vector<16xi32>
      %parallel_loop3A_104 = arith.andi %parallel_loop3A_101, %parallel_loop3A_103 : vector<16xi32>
      %parallel_loop3A_105 = tpu.vector_load_idx %arg5[%parallel_loop3A_104] : memref<128xi32, #tpu.memory_space<vmem>>[vector<16xi32>], vector<16xi32>,
      %parallel_loop3A_106 = arith.index_cast %parallel_loop3A_88 : i32 to index
      %parallel_loop3A_107 = arith.constant 16 : index
      %parallel_loop3A_108 = tpu.vector_load %arg7[%parallel_loop3A_106, %parallel_loop3A_107] {strides = array<i32>} : memref<200x128xi32, #tpu.memory_space<vmem>>, vector<16xi32>,
      tpu.vector_store %arg7[%parallel_loop3A_106, %parallel_loop3A_107], %parallel_loop3A_105 {strides = array<i32>} : memref<200x128xi32, #tpu.memory_space<vmem>>, vector<16xi32>,
      %parallel_loop3A_109 = arith.index_cast %parallel_loop3A_88 : i32 to index
      %parallel_loop3A_110 = arith.constant 32 : index
      %parallel_loop3A_111 = tpu.vector_load %arg7[%parallel_loop3A_109, %parallel_loop3A_110] {strides = array<i32>} : memref<200x128xi32, #tpu.memory_space<vmem>>, vector<16xi32>,
      %parallel_loop3A_112 = arith.constant 127 : i32
      %parallel_loop3A_113 = vector.broadcast %parallel_loop3A_112 : i32 to vector<16xi32>
      %parallel_loop3A_114 = arith.andi %parallel_loop3A_111, %parallel_loop3A_113 : vector<16xi32>
      %parallel_loop3A_115 = tpu.vector_load_idx %arg5[%parallel_loop3A_114] : memref<128xi32, #tpu.memory_space<vmem>>[vector<16xi32>], vector<16xi32>,
      %parallel_loop3A_116 = arith.index_cast %parallel_loop3A_88 : i32 to index
      %parallel_loop3A_117 = arith.constant 32 : index
      %parallel_loop3A_118 = tpu.vector_load %arg7[%parallel_loop3A_116, %parallel_loop3A_117] {strides = array<i32>} : memref<200x128xi32, #tpu.memory_space<vmem>>, vector<16xi32>,
      tpu.vector_store %arg7[%parallel_loop3A_116, %parallel_loop3A_117], %parallel_loop3A_115 {strides = array<i32>} : memref<200x128xi32, #tpu.memory_space<vmem>>, vector<16xi32>,
      %parallel_loop3A_119 = arith.index_cast %parallel_loop3A_88 : i32 to index
      %parallel_loop3A_120 = arith.constant 48 : index
      %parallel_loop3A_121 = tpu.vector_load %arg7[%parallel_loop3A_119, %parallel_loop3A_120] {strides = array<i32>} : memref<200x128xi32, #tpu.memory_space<vmem>>, vector<16xi32>,
      %parallel_loop3A_122 = arith.constant 127 : i32
      %parallel_loop3A_123 = vector.broadcast %parallel_loop3A_122 : i32 to vector<16xi32>
      %parallel_loop3A_124 = arith.andi %parallel_loop3A_121, %parallel_loop3A_123 : vector<16xi32>
      %parallel_loop3A_125 = tpu.vector_load_idx %arg5[%parallel_loop3A_124] : memref<128xi32, #tpu.memory_space<vmem>>[vector<16xi32>], vector<16xi32>,
      %parallel_loop3A_126 = arith.index_cast %parallel_loop3A_88 : i32 to index
      %parallel_loop3A_127 = arith.constant 48 : index
      %parallel_loop3A_128 = tpu.vector_load %arg7[%parallel_loop3A_126, %parallel_loop3A_127] {strides = array<i32>} : memref<200x128xi32, #tpu.memory_space<vmem>>, vector<16xi32>,
      tpu.vector_store %arg7[%parallel_loop3A_126, %parallel_loop3A_127], %parallel_loop3A_125 {strides = array<i32>} : memref<200x128xi32, #tpu.memory_space<vmem>>, vector<16xi32>,
      %parallel_loop3A_129 = arith.index_cast %parallel_loop3A_88 : i32 to index
      %parallel_loop3A_130 = arith.constant 64 : index
      %parallel_loop3A_131 = tpu.vector_load %arg7[%parallel_loop3A_129, %parallel_loop3A_130] {strides = array<i32>} : memref<200x128xi32, #tpu.memory_space<vmem>>, vector<16xi32>,
      %parallel_loop3A_132 = arith.constant 127 : i32
      %parallel_loop3A_133 = vector.broadcast %parallel_loop3A_132 : i32 to vector<16xi32>
      %parallel_loop3A_134 = arith.andi %parallel_loop3A_131, %parallel_loop3A_133 : vector<16xi32>
      %parallel_loop3A_135 = tpu.vector_load_idx %arg5[%parallel_loop3A_134] : memref<128xi32, #tpu.memory_space<vmem>>[vector<16xi32>], vector<16xi32>,
      %parallel_loop3A_136 = arith.index_cast %parallel_loop3A_88 : i32 to index
      %parallel_loop3A_137 = arith.constant 64 : index
      %parallel_loop3A_138 = tpu.vector_load %arg7[%parallel_loop3A_136, %parallel_loop3A_137] {strides = array<i32>} : memref<200x128xi32, #tpu.memory_space<vmem>>, vector<16xi32>,
      tpu.vector_store %arg7[%parallel_loop3A_136, %parallel_loop3A_137], %parallel_loop3A_135 {strides = array<i32>} : memref<200x128xi32, #tpu.memory_space<vmem>>, vector<16xi32>,
      %parallel_loop3A_139 = arith.index_cast %parallel_loop3A_88 : i32 to index
      %parallel_loop3A_140 = arith.constant 80 : index
      %parallel_loop3A_141 = tpu.vector_load %arg7[%parallel_loop3A_139, %parallel_loop3A_140] {strides = array<i32>} : memref<200x128xi32, #tpu.memory_space<vmem>>, vector<16xi32>,
      %parallel_loop3A_142 = arith.constant 127 : i32
      %parallel_loop3A_143 = vector.broadcast %parallel_loop3A_142 : i32 to vector<16xi32>
      %parallel_loop3A_144 = arith.andi %parallel_loop3A_141, %parallel_loop3A_143 : vector<16xi32>
      %parallel_loop3A_145 = tpu.vector_load_idx %arg5[%parallel_loop3A_144] : memref<128xi32, #tpu.memory_space<vmem>>[vector<16xi32>], vector<16xi32>,
      %parallel_loop3A_146 = arith.index_cast %parallel_loop3A_88 : i32 to index
      %parallel_loop3A_147 = arith.constant 80 : index
      %parallel_loop3A_148 = tpu.vector_load %arg7[%parallel_loop3A_146, %parallel_loop3A_147] {strides = array<i32>} : memref<200x128xi32, #tpu.memory_space<vmem>>, vector<16xi32>,
      tpu.vector_store %arg7[%parallel_loop3A_146, %parallel_loop3A_147], %parallel_loop3A_145 {strides = array<i32>} : memref<200x128xi32, #tpu.memory_space<vmem>>, vector<16xi32>,
      %parallel_loop3A_149 = arith.index_cast %parallel_loop3A_88 : i32 to index
      %parallel_loop3A_150 = arith.constant 96 : index
      %parallel_loop3A_151 = tpu.vector_load %arg7[%parallel_loop3A_149, %parallel_loop3A_150] {strides = array<i32>} : memref<200x128xi32, #tpu.memory_space<vmem>>, vector<16xi32>,
      %parallel_loop3A_152 = arith.constant 127 : i32
      %parallel_loop3A_153 = vector.broadcast %parallel_loop3A_152 : i32 to vector<16xi32>
      %parallel_loop3A_154 = arith.andi %parallel_loop3A_151, %parallel_loop3A_153 : vector<16xi32>
      %parallel_loop3A_155 = tpu.vector_load_idx %arg5[%parallel_loop3A_154] : memref<128xi32, #tpu.memory_space<vmem>>[vector<16xi32>], vector<16xi32>,
      %parallel_loop3A_156 = arith.index_cast %parallel_loop3A_88 : i32 to index
      %parallel_loop3A_157 = arith.constant 96 : index
      %parallel_loop3A_158 = tpu.vector_load %arg7[%parallel_loop3A_156, %parallel_loop3A_157] {strides = array<i32>} : memref<200x128xi32, #tpu.memory_space<vmem>>, vector<16xi32>,
      tpu.vector_store %arg7[%parallel_loop3A_156, %parallel_loop3A_157], %parallel_loop3A_155 {strides = array<i32>} : memref<200x128xi32, #tpu.memory_space<vmem>>, vector<16xi32>,
      %parallel_loop3A_159 = arith.index_cast %parallel_loop3A_88 : i32 to index
      %parallel_loop3A_160 = arith.constant 112 : index
      %parallel_loop3A_161 = tpu.vector_load %arg7[%parallel_loop3A_159, %parallel_loop3A_160] {strides = array<i32>} : memref<200x128xi32, #tpu.memory_space<vmem>>, vector<16xi32>,
      %parallel_loop3A_162 = arith.constant 127 : i32
      %parallel_loop3A_163 = vector.broadcast %parallel_loop3A_162 : i32 to vector<16xi32>
      %parallel_loop3A_164 = arith.andi %parallel_loop3A_161, %parallel_loop3A_163 : vector<16xi32>
      %parallel_loop3A_165 = tpu.vector_load_idx %arg5[%parallel_loop3A_164] : memref<128xi32, #tpu.memory_space<vmem>>[vector<16xi32>], vector<16xi32>,
      %parallel_loop3A_166 = arith.index_cast %parallel_loop3A_88 : i32 to index
      %parallel_loop3A_167 = arith.constant 112 : index
      %parallel_loop3A_168 = tpu.vector_load %arg7[%parallel_loop3A_166, %parallel_loop3A_167] {strides = array<i32>} : memref<200x128xi32, #tpu.memory_space<vmem>>, vector<16xi32>,
      tpu.vector_store %arg7[%parallel_loop3A_166, %parallel_loop3A_167], %parallel_loop3A_165 {strides = array<i32>} : memref<200x128xi32, #tpu.memory_space<vmem>>, vector<16xi32>,
    } {sc.loop_unroll_factor = 2 : i64, sc.parallel_access}
    %add3A_78 = arith.constant 384 : i32
    %add3A_79 = arith.addi %mul3A_2, %add3A_78 : i32
    %dma_start3A_80 = arith.constant 0 : i32
    %dma_start3A_81 = tpu.memref_slice %arg4[%dma_start3A_80, %add3A_79] : memref<200x16384xi32, #tpu.memory_space<hbm>> -> memref<200x128xi32, #tpu.memory_space<hbm>>
    %dma_start3A_82 = arith.constant 0 : i32
    %dma_start3A_83 = tpu.memref_slice %arg4[%dma_start3A_82, %add3A_79] : memref<200x16384xi32, #tpu.memory_space<hbm>> -> memref<200x128xi32, #tpu.memory_space<hbm>>
    tpu.enqueue_dma source(%arg7 : memref<200x128xi32, #tpu.memory_space<vmem>>) target(%dma_start3A_83 : memref<200x128xi32, #tpu.memory_space<hbm>>) target_semaphore(%arg11 : memref<!tpu.dma_semaphore, #tpu.memory_space<semaphore_mem>>)
    %dma_wait3A_84 = arith.constant 0 : i32
    %dma_wait3A_85 = tpu.memref_slice %arg4[%dma_wait3A_84, %add3A_79] : memref<200x16384xi32, #tpu.memory_space<hbm>> -> memref<200x128xi32, #tpu.memory_space<hbm>>
    %dma_wait3A_86 = arith.constant 0 : i32
    %dma_wait3A_87 = tpu.memref_slice %arg4[%dma_wait3A_86, %add3A_79] : memref<200x16384xi32, #tpu.memory_space<hbm>> -> memref<200x128xi32, #tpu.memory_space<hbm>>
    tpu.wait_dma2 semaphore(%arg11 : memref<!tpu.dma_semaphore, #tpu.memory_space<semaphore_mem>>) src(%arg7 : memref<200x128xi32, #tpu.memory_space<vmem>>) dst(%dma_wait3A_87 : memref<200x128xi32, #tpu.memory_space<hbm>>)
    return
  }
}

</mosaic_0001>

<sc_bundles>
// kernel: kernel.3.cloned.1.call-start
scs
__scs_entry_jumppad:
0x0: {  	(pc) =	sbr.rel $0x88, $3  }
0x1: {  	(tag) =	ssettag $0x0;
	lr =	simm.s32 $0x1  }
0x2: {  	[smem:$0x3F9F] =	sst lr;
	_ =	strace $0xD0000000  }
0x3: {  	_ = 	snop  }
0x4: {  	_ = 	snop  }
0x5: {  	_ = 	snop  }
0x6: {  	_ = 	snop  }
0x7: {  	_ = 	snop  }
__scs_overlays_trampoline_lowered:
0x8: {  	[smem:$0x3FAE] =	sst s0  }
0x9: {  	[smem:$0x3FAF] =	sst s1  }
0xa: {  	[smem:$0x3FB0] =	sst s2  }
0xb: {  	[smem:$0x3FB1] =	sst s3  }
0xc: {  	[smem:$0x3FB2] =	sst s4  }
0xd: {  	[smem:$0x3FB3] =	sst s5  }
0xe: {  	[smem:$0x3FB4] =	sst s6  }
0xf: {  	[smem:$0x3FB5] =	sst s7  }
0x10: {  	[smem:$0x3FB6] =	sst s8  }
0x11: {  	[smem:$0x3FB7] =	sst s9;
	s0 =	simm.s32 @!p0 $0x0  }
0x12: {  	s1 =	sld [smem:$0x3F9D];
	s0 =	simm.s32 @p0 $0x1  }
0x13: {  	[smem:$0x3FB8] =	sst s0;
	s0 =	simm.s32 @!p1 $0x0  }
0x14: {  	s2 =	sld [smem:$0x3F9C];
	s0 =	simm.s32 @p1 $0x1  }
0x15: {  	[smem:$0x3FB9] =	sst s0;
	s0 =	simm.s32 @!p2 $0x0  }
0x16: {  	s3 =	sld [smem:$0x3FDB];
	s0 =	simm.s32 @p2 $0x1  }
0x17: {  	s4 =	simm.s32 $0x1BF5;
	[smem:$0x3FBB] =	sst s0  }
0x18: {  	s0 =	sld [smem:$0x3F9E];
	_ =	swait.ge [sflag:s4], $0x0  }
0x19: {  	s7 =	sld [smem:$0x3F9F]  }
0x1a: {  	s8 =	sadd.s32 $0xFFFFE003, lr  }
0x1b: {  	s9 =	sadd.s32 $0xFFFFFEF7, lr;
	s5 =	simm.s32 $0xFFFFFFFF;
	p2 =	slt.u32 s8, $0xFFFFF086  }
0x1c: {  	p1 =	slt.u32 s9, $0xF7A;
	s5 =	simm.s32 @!p2 $0x0  }
0x1d: {  	s5 =	simm.s32 @p1 $0x1;
	p0 =	seq.s32 s7, s2  }
0x1e: {  	s7 =	smul.u32 @!p0 $0xF7A, s2;
	p2 =	seq.s32 @!p0 s5, $0x0  }
0x1f: {  	s9 =	smul.u32 $0xF7A, s1;
	s8 =	simm.s32 @!p0 $0x1BF5;
	p2 =	por !p2, p0  }
0x20: {  	[sflag:s8] =	ssyncset.s32 @!p0 $0xFFFFF086;
	s6 =	sadd.s32 @!p0 s3, s7;
	s7 =	simm.s32 @!p0 $0x108  }
0x21: {  	s3 =	sadd.s32 s3, s9;
	s6 =	sadd.s32 @!p0 $0x88, s6;
	s7 =	simm.s32 @p2 $0x1082  }
0x22: {  	[simem:s7], [sflag:s8] =	dma.local @!p0 [hbm:s6], $0xF7A  }
0x23: {  	s9 =	sor.u32 $0xD0000000, s2;
	s6 =	simm.s32 $0x108;
	_ =	swait.ge @!p0 [sflag:s8], $0x0  }
0x24: {  	s3 =	sadd.s32 $0x88, s3;
	s6 =	simm.s32 @!p1 $0x1082;
	[sflag:s4] =	ssyncset.s32 $0xFFFFF086  }
0x25: {  	[simem:s6], [sflag:s4] =	dma.local [hbm:s3], $0xF7A  }
0x26: {  	[smem:$0x3F9F] =	sst s1;
	(tag) =	ssettag s2;
	_ =	strace s9  }
0x27: {  	s1 =	sld [smem:$0x3FAF]  }
0x28: {  	s2 =	sld [smem:$0x3FB0]  }
0x29: {  	s4 =	sld [smem:$0x3FB2]  }
0x2a: {  	p0 =	seq.s32 s5, $0x0;
	s5 =	sld [smem:$0x3FB3]  }
0x2b: {  	s6 =	sld [smem:$0x3FB4]  }
0x2c: {  	s7 =	sld [smem:$0x3FB5]  }
0x2d: {  	s3 =	simm.s32 $0x108;
	s8 =	sld [smem:$0x3FB6]  }
0x2e: {  	s3 =	simm.s32 @!p0 $0x1082;
	s9 =	sld [smem:$0x3FB7]  }
0x2f: {  	lr =	sadd.s32 s0, s3;
	s0 =	sld [smem:$0x3FAE]  }
0x30: {  	s3 =	sld [smem:$0x3FB1]  }
0x31: {  	[smem:$0x3FBA] =	sst s10  }
0x32: {  	s10 =	sld [smem:$0x3FB8];
	_ =	sdelay $0x3  }
0x33: {  	p0 =	seq.s32 s10, $0x1;
	s10 =	sld [smem:$0x3FBA];
	_ =	sdelay $0x3  }
0x34: {  	[smem:$0x3FBA] =	sst s10  }
0x35: {  	s10 =	sld [smem:$0x3FB9];
	_ =	sdelay $0x3  }
0x36: {  	p1 =	seq.s32 s10, $0x1;
	s10 =	sld [smem:$0x3FBA];
	_ =	sdelay $0x3  }
0x37: {  	[smem:$0x3FBA] =	sst s10  }
0x38: {  	s10 =	sld [smem:$0x3FBB]  }
0x39: {  	_ = 	snop;
	(pc) =	sbr.ind lr, $3  }
0x3a: {  	_ = 	snop  }
0x3b: {  	_ = 	snop  }
0x3c: {  	p2 =	seq.s32 s10, $0x1;
	s10 =	sld [smem:$0x3FBA]  }
0x3d: {  	_ =	shalt  }
0x3e: {  	_ =	shalt  }
0x3f: {  	_ =	shalt  }
0x40: {  	_ =	shalt  }
0x41: {  	_ =	shalt  }
0x42: {  	_ =	shalt  }
0x43: {  	_ =	shalt  }
0x44: {  	_ =	shalt  }
0x45: {  	_ =	shalt  }
0x46: {  	_ =	shalt  }
0x47: {  	_ =	shalt  }
0x48: {  	_ =	shalt  }
0x49: {  	_ =	shalt  }
0x4a: {  	_ =	shalt  }
0x4b: {  	_ =	shalt  }
0x4c: {  	_ =	shalt  }
0x4d: {  	_ =	shalt  }
0x4e: {  	_ =	shalt  }
0x4f: {  	_ =	shalt  }
0x50: {  	_ =	shalt  }
0x51: {  	_ =	shalt  }
0x52: {  	_ =	shalt  }
0x53: {  	_ =	shalt  }
0x54: {  	_ =	shalt  }
0x55: {  	_ =	shalt  }
0x56: {  	_ =	shalt  }
0x57: {  	_ =	shalt  }
0x58: {  	_ =	shalt  }
0x59: {  	_ =	shalt  }
0x5a: {  	_ =	shalt  }
0x5b: {  	_ =	shalt  }
0x5c: {  	_ =	shalt  }
0x5d: {  	_ =	shalt  }
0x5e: {  	_ =	shalt  }
0x5f: {  	_ =	shalt  }
0x60: {  	_ =	shalt  }
0x61: {  	_ =	shalt  }
0x62: {  	_ =	shalt  }
0x63: {  	_ =	shalt  }
0x64: {  	_ =	shalt  }
0x65: {  	_ =	shalt  }
0x66: {  	_ =	shalt  }
0x67: {  	_ =	shalt  }
0x68: {  	_ =	shalt  }
0x69: {  	_ =	shalt  }
0x6a: {  	_ =	shalt  }
0x6b: {  	_ =	shalt  }
0x6c: {  	_ =	shalt  }
0x6d: {  	_ =	shalt  }
0x6e: {  	_ =	shalt  }
0x6f: {  	_ =	shalt  }
0x70: {  	_ =	shalt  }
0x71: {  	_ =	shalt  }
0x72: {  	_ =	shalt  }
0x73: {  	_ =	shalt  }
0x74: {  	_ =	shalt  }
0x75: {  	_ =	shalt  }
0x76: {  	_ =	shalt  }
0x77: {  	_ =	shalt  }
0x78: {  	_ =	shalt  }
0x79: {  	_ =	shalt  }
0x7a: {  	_ =	shalt  }
0x7b: {  	_ =	shalt  }
0x7c: {  	_ =	shalt  }
0x7d: {  	_ =	shalt  }
0x7e: {  	_ =	shalt  }
0x7f: {  	_ =	shalt  }
0x80: {  	_ =	shalt  }
0x81: {  	_ =	shalt  }
0x82: {  	_ =	shalt  }
0x83: {  	_ =	shalt  }
0x84: {  	_ =	shalt  }
0x85: {  	_ =	shalt  }
0x86: {  	_ =	shalt  }
0x87: {  	_ =	shalt  }
.Lfunc_end0:
.L_simem_size_0:
called_computation_lowered:
.L_overlay_start_0:
0x88: {  	s2 =	sld [smem:$0x3FD9]  }
0x89: {  	s3 =	sld [smem:$0x3FFE];
	_ =	sdelay $0x1  }
0x8a: {  	s1 =	srdreg.scid  }
0x8b: {  	s0 =	sand.u32 $0x1, s1  }
0x8c: {  	s17 =	sshll.u32 s0, $0xA;
	s2 =	sadd.s32 s3, s2  }
0x8d: {  	s2 =	sadd.s32 s2, s17  }
0x8e: {  	[smem:$0x3FC6] =	sst s2  }
0x8f: {  	_ = 	snop  }
0x90: {  	s2 =	sld [smem:$0x3FC9]  }
0x91: {  	s18 =	sld [smem:$0x3FD0];
	(tm) =	ssettm $0x1  }
0x92: {  	s4 =	sld [smem:$0x3FFB];
	_ =	sdelay $0x3  }
0x93: {  	_ =	strace s4  }
0x94: {  	s4 =	sld [smem:$0x3FFC];
	_ =	sdelay $0x3  }
0x95: {  	_ =	strace s4  }
0x96: {  	s4 =	sld [smem:$0x3FFD];
	_ =	sdelay $0x3  }
0x97: {  	_ =	strace s4  }
0x98: {  	_ =	strace $0x8FFFFFFF  }
0x99: {  	s19 =	sld [smem:$0x3FDB];
	_ =	sdelay $0x1  }
0x9a: {  	s5 =	simm.s32 $_scs_section_size  }
0x9b: {  	s6 =	simm.s32 $_size__tile_overlayer_lowered;
	s7 =	simm.s32 $_tile_overlayer_lowered  }
0x9c: {  	s22 =	simm.s32 $0x1BFF;
	s21 =	sshll.u32 s7, $0x1;
	s4 =	sadd.s32 s5, s19  }
0x9d: {  	s8 =	simm.s32 $0x0;
	s20 =	sshll.u32 s6, $0x1;
	s6 =	sadd.s32 s21, s4  }
0x9e: {  	[timem:s8], [sflag:s22] =	dma.local [hbm:s6], s20  }
0x9f: {  	_ =	swait.ge [sflag:s22], s20  }
0xa0: {  	s5 =	ssub.s32 $0x0, s20;
	[sflag:s22] =	ssyncset.done $0x0  }
0xa1: {  	[sflag:s22] =	ssyncadd.s32 s5;
	_ =	sdelay $0x1  }
0xa2: {  	s23 =	simm.s32 $0x1B8B  }
0xa3: {  	_ =	swait.ge [sflag:s23], $0x1  }
0xa4: {  	[sflag:s23] =	ssyncset.done $0x0  }
0xa5: {  	s25 =	simm.s32 $0x1B8E;
	s24 =	sld [smem:$0x3FFE];
	[sflag:s23] =	ssyncadd.s32 $0xFFFFFFFF  }
0xa6: {  	s26 =	simm.s32 $execute0_lowered;
	[smem:$0x3FD2] =	sst s25  }
0xa7: {  	s6 =	sshll.u32 s26, $0x1;
	_ =	strace $0x80000046;
	[dreg:$0x1] =	wrdreg $0xFFFFFFFF  }
0xa8: {  	s28 =	simm.s32 $_size_execute0_lowered;
	s4 =	sadd.s32 s4, s6;
	[dreg:$0x0] =	wrdreg $0x0  }
0xa9: {  	s6 =	sshll.u32 s28, $0x1;
	[dreg:$0x2] =	wrdreg s4  }
0xaa: {  	[dreg:$0x3] =	wrdreg s6  }
0xab: {  	[dreg:$0x4] =	wrdreg $0xC0  }
0xac: {  	_ =	task [dreg:s8], $0x5FFFF  }
0xad: {  	[dreg:$0x1] =	wrdreg $0xFFFFFFFF  }
0xae: {  	[dreg:$0x0] =	wrdreg $0x60  }
0xaf: {  	[dreg:$0x2] =	wrdreg s2  }
0xb0: {  	[dreg:$0x3] =	wrdreg s24  }
0xb1: {  	[dreg:$0x4] =	wrdreg s18  }
0xb2: {  	[dreg:$0x5] =	wrdreg $0x9  }
0xb3: {  	_ =	task.clear_ibuf [dreg:s8], $0x6FFFF;
	_ =	strace $0x90000046  }
0xb4: {  	s29 =	simm.s32 $0x9;
	_ =	strace $0x80000048  }
0xb5: {  	_ =	swait.ge [sflag:s29], $0x1  }
0xb6: {  	[sflag:s29] =	ssyncadd.s32 $0xFFFFFFFF  }
0xb7: {  	_ =	strace $0x90000048  }
0xb8: {  	_ =	sfence  }
0xb9: {  	s30 =	sld [smem:$0x0];
	_ =	sdelay $0x2  }
0xba: {  	s31 =	sshll.u32 s1, $0xD;
	s1 =	sshrl.u32 s1, $0x2  }
0xbb: {  	s3 =	sand.u32 $0x4000, s31;
	s1 =	sadd.s32 s1, s30  }
0xbc: {  	s0 =	sor.u32 s3, s0;
	s1 =	sshll.u32 s1, $0x11  }
0xbd: {  	s0 =	sor.u32 s1, s0  }
0xbe: {  	s0 =	sadd.s32 $0x8F2B, s0  }
0xbf: {  	[sflag:s0] =	ssyncadd.remote.s32 $0x1  }
0xc0: {  	_ =	sfence.sel $0xFFFF  }
0xc1: {  	[dreg:$0x0] =	wrdreg $0xFFFFFFFF;
	(pc) =	sbr.abs _section_cstart, $3  }
0xc2: {  	[dreg:$0x1] =	wrdreg $0xFFFFFFFF  }
0xc3: {  	_ =	task.clear_ibuf [dreg:s8], $0x2FFFF;
	_ =	strace $0x9FFFFFFF  }
0xc4: {  	(tm) =	ssettm $0x7FFFFFFF  }
0xc5: {  	_ =	shalt  }
tec
execute0_lowered:
.L_overlay_start_1:
0x0: {  	(tag) =	ssettag $0x1  }
0x1: {  	s9 =	rddreg [dreg:$0x0]  }
0x2: {  	s3 =	rddreg [dreg:$0x1]  }
0x3: {  	s11 =	rddreg [dreg:$0x2]  }
0x4: {  	s0 =	rddreg [dreg:$0x3];
	s2 =	simm.s32 $0x0;
	s4 =	srdreg.scid  }
0x5: {  	s1 =	stileid.u32;
	s15 =	simm.s32 $0x80;
	s16 =	simm.s32 $0x5  }
0x6: {  	s17 =	simm.s32 $0x6480;
	s18 =	simm.s32 $0x1;
	s19 =	simm.s32 $0x3  }
0x7: {  	s20 =	simm.s32 $0x2;
	s21 =	simm.s32 $0x4;
	s22 =	simm.s32 $0x0  }
0x8: {  	[smem:$0x7FF] =	sst s2;
	s4 =	sand.u32 $0x1, s4;
	s6 =	sshll.u32 s1, $0xA  }
0x9: {  	s3 =	sadd.s32 $0x400, s3;
	s5 =	ssub.s32 $0x2, s4;
	s4 =	sshll.u32 s4, $0x9  }
0xa: {  	_ =	strace $0x80000047;
	s7 =	sshrl.u32 s5, $0x1;
	s8 =	sor.u32 s4, s6  }
0xb: {  	s12 =	ssub.s32 s5, s7;
	s10 =	sor.u32 $0x80, s8;
	s4 =	sadd.s32 s9, s8  }
0xc: {  	s13 =	sor.u32 $0x100, s8;
	s6 =	sadd.s32 s11, s8;
	s14 =	sor.u32 $0x180, s8  }
0xd: {  	s5 =	sadd.s32 s9, s10;
	s7 =	sadd.s32 s9, s13;
	s8 =	sadd.s32 s11, s10  }
0xe: {  	s9 =	sadd.s32 s9, s14;
	s10 =	sadd.s32 s11, s13;
	s11 =	sadd.s32 s11, s14  }
0xf: {  	s12 =	smax.u32 s12, $0x1;
	s13 =	simm.s32 $0x400;
	s14 =	simm.s32 $0x20000  }
.LBB2_1:
0x10: {  	[tilespmem:s15], [sflag:$0x1] =	stream.strided.gather [hbm4b:s4+s13], $0x6400, s14, s13, $0x38;
	[tilespmem:$0xC880] =	vst v63  }
0x11: {  	_ = 	snop  }
0x12: {  	[tilespmem:s2], [sflag:$0x5] =	stream.linear.gather [hbm4b:s3+s2], $0x80, $0x38;
	[tilespmem:$0xC880] =	vst v63  }
0x13: {  	_ =	swait.ge [sflag:s16], $0x80  }
0x14: {  	[sflag:s16] =	ssyncset.done $0x0  }
0x15: {  	[sflag:s16] =	ssyncadd.s32 $0xFFFFFF80  }
0x16: {  	[tilespmem:s17], [sflag:$0x2] =	stream.strided.gather [hbm4b:s5+s13], $0x6400, s14, s13, $0x38;
	[tilespmem:$0xC880] =	vst v63  }
0x17: {  	_ =	swait.ge [sflag:s18], $0x6400  }
0x18: {  	[sflag:s18] =	ssyncset.done $0x0  }
0x19: {  	s23 =	simm.s32 $0x100;
	[sflag:s18] =	ssyncadd.s32 $0xFFFF9C00  }
0x1a: {  	v0 =	vld [tilespmem:s23+$0x0];
	_ =	sdelay $0x3  }
0x1b: {  	v1 =	vld [tilespmem:s23+$0xFFFFFF80]  }
0x1c: {  	v2 =	vld [tilespmem:s23+$0x10];
	v0 =	vand.u32 $0x7F, v0  }
0x1d: {  	v3 =	vld [tilespmem:s23+$0xFFFFFF90]  }
0x1e: {  	v4 =	vld [tilespmem:s23+$0x20]  }
0x1f: {  	v5 =	vld [tilespmem:s23+$0xFFFFFFA0]  }
0x20: {  	v6 =	vld [tilespmem:s23+$0xFFFFFFB0]  }
0x21: {  	v1 =	vand.u32 $0x7F, v1;
	v0 =	vld.idx.msk [tilespmem:v0+s2+$0x0], $0xffff  }
0x22: {  	v7 =	vld [tilespmem:s23+$0x30];
	v2 =	vand.u32 $0x7F, v2  }
0x23: {  	s24 =	simm.s32 $0x200;
	v8 =	vld [tilespmem:s23+$0xFFFFFFF0]  }
0x24: {  	v9 =	vld [tilespmem:s24+$0xFFFFFF80]  }
0x25: {  	v10 =	vld [tilespmem:s24+$0xFFFFFF90]  }
0x26: {  	v1 =	vld.idx.msk [tilespmem:v1+s2+$0x0], $0xffff;
	[tilespmem:s23+$0x0] =	vst v0  }
0x27: {  	v3 =	vand.u32 $0x7F, v3;
	v0 =	vld.idx.msk [tilespmem:v2+s2+$0x0], $0xffff  }
0x28: {  	v11 =	vld [tilespmem:s23+$0x50];
	v4 =	vand.u32 $0x7F, v4  }
0x29: {  	v12 =	vld [tilespmem:s24+$0xFFFFFFA0]  }
0x2a: {  	v13 =	vld [tilespmem:s24+$0xFFFFFFB0]  }
0x2b: {  	v14 =	vld [tilespmem:s24+$0xFFFFFFC0];
	[tilespmem:s23+$0xFFFFFF80] =	vst v1  }
0x2c: {  	v1 =	vld.idx.msk [tilespmem:v3+s2+$0x0], $0xffff;
	[tilespmem:s23+$0x10] =	vst v0  }
0x2d: {  	v3 =	vand.u32 $0x7F, v5;
	v0 =	vld.idx.msk [tilespmem:v4+s2+$0x0], $0xffff  }
0x2e: {  	s25 =	simm.s32 $0x300;
	v57 =	vld [tilespmem:s24+$0x50];
	v5 =	vand.u32 $0x7F, v7  }
0x2f: {  	v15 =	vld [tilespmem:s25+$0xFFFFFFA0]  }
0x30: {  	v16 =	vld [tilespmem:s25+$0xFFFFFFB0]  }
0x31: {  	[tilespmem:s23+$0xFFFFFF90] =	vst v1;
	v1 =	vld [tilespmem:s23+$0x40]  }
0x32: {  	v3 =	vld.idx.msk [tilespmem:v3+s2+$0x0], $0xffff;
	[tilespmem:s23+$0x20] =	vst v0  }
0x33: {  	v0 =	vld.idx.msk [tilespmem:v5+s2+$0x0], $0xffff  }
0x34: {  	v5 =	vld [tilespmem:s24+$0x0]  }
0x35: {  	v59 =	vld [tilespmem:s24+$0x60]  }
0x36: {  	v17 =	vld [tilespmem:s25+$0xFFFFFFC0];
	v1 =	vand.u32 $0x7F, v1  }
0x37: {  	v61 =	vld [tilespmem:s25+$0x30];
	v6 =	vand.u32 $0x7F, v6  }
0x38: {  	v2 =	vld [tilespmem:s23+$0xFFFFFFC0]  }
0x39: {  	v4 =	vld [tilespmem:s23+$0xFFFFFFD0];
	[tilespmem:s23+$0xFFFFFFA0] =	vst v3;
	v5 =	vand.u32 $0x7F, v5  }
0x3a: {  	v3 =	vld [tilespmem:s24+$0x10];
	[tilespmem:s23+$0x30] =	vst v0;
	v0 =	vand.u32 $0x7F, v9  }
0x3b: {  	v1 =	vld.idx.msk [tilespmem:v1+s2+$0x0], $0xffff  }
0x3c: {  	v6 =	vld.idx.msk [tilespmem:v6+s2+$0x0], $0xffff;
	v9 =	vand.u32 $0x7F, v11  }
0x3d: {  	v11 =	vld [tilespmem:s23+$0x60]  }
0x3e: {  	v2 =	vand.u32 $0x7F, v2;
	v5 =	vld.idx.msk [tilespmem:v5+s2+$0x0], $0xffff  }
0x3f: {  	v3 =	vand.u32 $0x7F, v3;
	v0 =	vld.idx.msk [tilespmem:v0+s2+$0x0], $0xffff  }
0x40: {  	[tilespmem:s23+$0x40] =	vst v1;
	v1 =	vand.u32 $0x7F, v10;
	v10 =	vld [tilespmem:s24+$0x20]  }
0x41: {  	v9 =	vld.idx.msk [tilespmem:v9+s2+$0x0], $0xffff  }
0x42: {  	v62 =	vld [tilespmem:s25+$0xFFFFFFE0];
	[tilespmem:s23+$0xFFFFFFB0] =	vst v6;
	v6 =	vand.u32 $0x7F, v11  }
0x43: {  	v2 =	vld.idx.msk [tilespmem:v2+s2+$0x0], $0xffff;
	[tilespmem:s24+$0x0] =	vst v5  }
0x44: {  	v4 =	vand.u32 $0x7F, v4;
	[tilespmem:s24+$0xFFFFFF80] =	vst v0;
	v0 =	vld.idx.msk [tilespmem:v3+s2+$0x0], $0xffff  }
0x45: {  	v1 =	vld.idx.msk [tilespmem:v1+s2+$0x0], $0xffff;
	v10 =	vand.u32 $0x7F, v10  }
0x46: {  	[tilespmem:s23+$0x50] =	vst v9;
	v9 =	vld [tilespmem:s24+$0x30]  }
0x47: {  	v6 =	vld.idx.msk [tilespmem:v6+s2+$0x0], $0xffff  }
0x48: {  	v7 =	vld [tilespmem:s23+$0xFFFFFFE0];
	[tilespmem:s23+$0xFFFFFFC0] =	vst v2  }
0x49: {  	v2 =	vld.idx.msk [tilespmem:v4+s2+$0x0], $0xffff;
	[tilespmem:s24+$0x10] =	vst v0  }
0x4a: {  	v11 =	vand.u32 $0x7F, v12;
	[tilespmem:s24+$0xFFFFFF90] =	vst v1;
	v1 =	vld.idx.msk [tilespmem:v10+s2+$0x0], $0xffff  }
0x4b: {  	v19 =	vld [tilespmem:s25+$0xFFFFFFF0];
	v9 =	vand.u32 $0x7F, v9  }
0x4c: {  	[tilespmem:s23+$0x60] =	vst v6;
	v6 =	vld [tilespmem:s24+$0x40]  }
0x4d: {  	v5 =	vld [tilespmem:s23+$0x70]  }
0x4e: {  	[tilespmem:s23+$0xFFFFFFD0] =	vst v2;
	v2 =	vld [tilespmem:s25+$0x0]  }
0x4f: {  	v0 =	vand.u32 $0x7F, v7;
	v7 =	vld.idx.msk [tilespmem:v11+s2+$0x0], $0xffff;
	[tilespmem:s24+$0x20] =	vst v1  }
0x50: {  	v1 =	vld.idx.msk [tilespmem:v9+s2+$0x0], $0xffff  }
0x51: {  	v9 =	vld [tilespmem:s25+$0xFFFFFF80];
	v6 =	vand.u32 $0x7F, v6  }
0x52: {  	v56 =	vand.u32 $0x7F, v13;
	v3 =	vld [tilespmem:s24+$0xFFFFFFD0]  }
0x53: {  	v4 =	vand.u32 $0x7F, v5;
	v5 =	vld [tilespmem:s24+$0xFFFFFFE0]  }
0x54: {  	v11 =	vld [tilespmem:s25+$0xFFFFFF90];
	v2 =	vand.u32 $0x7F, v2;
	[tilespmem:s24+$0xFFFFFFA0] =	vst v7  }
0x55: {  	v7 =	vld [tilespmem:s25+$0x10];
	[tilespmem:s24+$0x30] =	vst v1  }
0x56: {  	v1 =	vand.u32 $0x7F, v9;
	v6 =	vld.idx.msk [tilespmem:v6+s2+$0x0], $0xffff  }
0x57: {  	v9 =	vld.idx.msk [tilespmem:v56+s2+$0x0], $0xffff  }
0x58: {  	v58 =	vand.u32 $0x7F, v57;
	v10 =	vld [tilespmem:s24+$0xFFFFFFF0]  }
0x59: {  	v2 =	vld.idx.msk [tilespmem:v2+s2+$0x0], $0xffff  }
0x5a: {  	v14 =	vand.u32 $0x7F, v14;
	v4 =	vld.idx.msk [tilespmem:v4+s2+$0x0], $0xffff  }
0x5b: {  	v1 =	vld.idx.msk [tilespmem:v1+s2+$0x0], $0xffff;
	[tilespmem:s24+$0x40] =	vst v6;
	v6 =	vand.u32 $0x7F, v7  }
0x5c: {  	[tilespmem:s24+$0xFFFFFFB0] =	vst v9;
	v9 =	vld [tilespmem:s25+$0x20];
	v7 =	vand.u32 $0x7F, v11  }
0x5d: {  	v11 =	vld.idx.msk [tilespmem:v58+s2+$0x0], $0xffff  }
0x5e: {  	v13 =	vand.u32 $0x7F, v59;
	[tilespmem:s25+$0x0] =	vst v2;
	v2 =	vld [tilespmem:s24+$0x70]  }
0x5f: {  	v60 =	vld.idx.msk [tilespmem:v14+s2+$0x0], $0xffff  }
0x60: {  	[tilespmem:s25+$0xFFFFFF80] =	vst v1;
	v1 =	vand.u32 $0x7F, v3;
	v3 =	vld.idx.msk [tilespmem:v6+s2+$0x0], $0xffff  }
0x61: {  	v6 =	vld.idx.msk [tilespmem:v7+s2+$0x0], $0xffff;
	v7 =	vand.u32 $0x7F, v9  }
0x62: {  	v0 =	vld.idx.msk [tilespmem:v0+s2+$0x0], $0xffff;
	v9 =	vand.u32 $0x7F, v15;
	[tilespmem:s24+$0x50] =	vst v11  }
0x63: {  	v13 =	vld.idx.msk [tilespmem:v13+s2+$0x0], $0xffff  }
0x64: {  	v2 =	vand.u32 $0x7F, v2;
	[tilespmem:s24+$0xFFFFFFC0] =	vst v60;
	v11 =	vld [tilespmem:s25+$0xFFFFFFD0]  }
0x65: {  	v8 =	vand.u32 $0x7F, v8;
	v1 =	vld.idx.msk [tilespmem:v1+s2+$0x0], $0xffff;
	[tilespmem:s25+$0x10] =	vst v3  }
0x66: {  	v3 =	vand.u32 $0x7F, v5;
	[tilespmem:s25+$0xFFFFFF90] =	vst v6;
	v63 =	vld.idx.msk [tilespmem:v7+s2+$0x0], $0xffff  }
0x67: {  	v12 =	vand.u32 $0x7F, v61;
	[tilespmem:s23+$0x70] =	vst v4;
	v18 =	vld.idx.msk [tilespmem:v9+s2+$0x0], $0xffff  }
0x68: {  	v9 =	vld [tilespmem:s25+$0x40];
	[tilespmem:s24+$0x60] =	vst v13  }
0x69: {  	[tilespmem:s23+$0xFFFFFFE0] =	vst v0;
	v6 =	vld.idx.msk [tilespmem:v2+s2+$0x0], $0xffff  }
0x6a: {  	v8 =	vld.idx.msk [tilespmem:v8+s2+$0x0], $0xffff;
	[tilespmem:s24+$0xFFFFFFD0] =	vst v1  }
0x6b: {  	v4 =	vand.u32 $0x7F, v17;
	v0 =	vand.u32 $0x7F, v10;
	v5 =	vand.u32 $0x7F, v16;
	v7 =	vld.idx.msk [tilespmem:v3+s2+$0x0], $0xffff;
	[tilespmem:s25+$0x20] =	vst v63  }
0x6c: {  	s26 =	simm.s32 $0x4;
	s28 =	simm.s32 $0x400;
	v2 =	vand.u32 $0x7F, v62;
	v1 =	vand.u32 $0x7F, v19;
	v3 =	vand.u32 $0x7F, v11;
	[tilespmem:s25+$0xFFFFFFA0] =	vst v18;
	v10 =	vld.idx.msk [tilespmem:v12+s2+$0x0], $0xffff  }
.LBB2_2:
0x6d: {  	v11 =	vld [tilespmem:s28+$0x0];
	s26 =	sadd.s32 $0x2, s26  }
0x6e: {  	v12 =	vld [tilespmem:s28+$0xFFFFFF80];
	p0 =	slt.u32 s26, $0xC6;
	v9 =	vand.u32 $0x7F, v9;
	[tilespmem:s24+$0x70] =	vst v6  }
0x6f: {  	v6 =	vld [tilespmem:s28+$0xFFFFFF90]  }
0x70: {  	v13 =	vld [tilespmem:s25+$0x50];
	[tilespmem:s24+$0xFFFFFFE0] =	vst v7  }
0x71: {  	v7 =	vld [tilespmem:s28+$0xFFFFFFA0];
	[tilespmem:s23+$0xFFFFFFF0] =	vst v8;
	s23 =	smov.u32 s24;
	s24 =	smov.u32 s25;
	s25 =	smov.u32 s28  }
0x72: {  	v8 =	vld [tilespmem:s28+$0xFFFFFFB0];
	v11 =	vand.u32 $0x7F, v11;
	[tilespmem:s24+$0x30] =	vst v10  }
0x73: {  	v10 =	vand.u32 $0x7F, v12;
	v9 =	vld.idx.msk [tilespmem:v9+s2+$0x0], $0xffff  }
0x74: {  	v6 =	vand.u32 $0x7F, v6;
	v12 =	vld [tilespmem:s28+$0x10]  }
0x75: {  	v14 =	vld.idx.msk [tilespmem:v5+s2+$0x0], $0xffff;
	v13 =	vand.u32 $0x7F, v13  }
0x76: {  	v7 =	vand.u32 $0x7F, v7;
	v15 =	vld [tilespmem:s24+$0x60]  }
0x77: {  	v5 =	vand.u32 $0x7F, v8;
	v8 =	vld.idx.msk [tilespmem:v11+s2+$0x0], $0xffff  }
0x78: {  	v10 =	vld.idx.msk [tilespmem:v10+s2+$0x0], $0xffff  }
0x79: {  	v11 =	vld [tilespmem:s28+$0xFFFFFFC0];
	v12 =	vand.u32 $0x7F, v12;
	[tilespmem:s24+$0x40] =	vst v9  }
0x7a: {  	v9 =	vld.idx.msk [tilespmem:v13+s2+$0x0], $0xffff  }
0x7b: {  	v13 =	vld [tilespmem:s28+$0x20];
	[tilespmem:s24+$0xFFFFFFB0] =	vst v14  }
0x7c: {  	v15 =	vand.u32 $0x7F, v15;
	v14 =	vld.idx.msk [tilespmem:v4+s2+$0x0], $0xffff  }
0x7d: {  	[tilespmem:s28+$0x0] =	vst v8;
	v8 =	vld [tilespmem:s24+$0x70]  }
0x7e: {  	[tilespmem:s28+$0xFFFFFF80] =	vst v10;
	v4 =	vand.u32 $0x7F, v11;
	v10 =	vld.idx.msk [tilespmem:v12+s2+$0x0], $0xffff  }
0x7f: {  	v6 =	vld.idx.msk [tilespmem:v6+s2+$0x0], $0xffff  }
0x80: {  	v11 =	vld [tilespmem:s28+$0xFFFFFFD0];
	v12 =	vand.u32 $0x7F, v13;
	[tilespmem:s24+$0x50] =	vst v9  }
0x81: {  	v9 =	vld.idx.msk [tilespmem:v15+s2+$0x0], $0xffff  }
0x82: {  	v13 =	vld [tilespmem:s28+$0x30];
	[tilespmem:s24+$0xFFFFFFC0] =	vst v14  }
0x83: {  	v8 =	vand.u32 $0x7F, v8;
	v14 =	vld.idx.msk [tilespmem:v3+s2+$0x0], $0xffff  }
0x84: {  	v15 =	vld [tilespmem:s28+$0xFFFFFFE0];
	[tilespmem:s28+$0x10] =	vst v10  }
0x85: {  	[tilespmem:s28+$0xFFFFFF90] =	vst v6;
	v3 =	vand.u32 $0x7F, v11;
	v10 =	vld.idx.msk [tilespmem:v12+s2+$0x0], $0xffff  }
0x86: {  	v11 =	vld.idx.msk [tilespmem:v7+s2+$0x0], $0xffff  }
0x87: {  	v12 =	vld [tilespmem:s28+$0xFFFFFFF0];
	v13 =	vand.u32 $0x7F, v13;
	[tilespmem:s24+$0x60] =	vst v9  }
.Ltmp0:
0x88: {  	v6 =	vld.idx.msk [tilespmem:v8+s2+$0x0], $0xffff;
	(pc) =	sbr.rel @p0 .LBB2_2-.Ltmp0, $4  }
0x89: {  	v8 =	vand.u32 $0x7F, v15;
	v9 =	vld [tilespmem:s28+$0x40];
	[tilespmem:s24+$0xFFFFFFD0] =	vst v14  }
0x8a: {  	v7 =	vld.idx.msk [tilespmem:v2+s2+$0x0], $0xffff;
	v2 =	vmov v8  }
0x8b: {  	[tilespmem:s28+$0x20] =	vst v10;
	v8 =	vld.idx.msk [tilespmem:v0+s2+$0x0], $0xffff;
	v0 =	vmov v1  }
0x8c: {  	s28 =	sadd.s32 $0x100, s28;
	[tilespmem:s25+$0xFFFFFFA0] =	vst v11;
	v1 =	vand.u32 $0x7F, v12;
	v10 =	vld.idx.msk [tilespmem:v13+s2+$0x0], $0xffff  }
0x8d: {  	_ =	sdelay $0x3  }
0x8e: {  	v5 =	vld.idx.msk [tilespmem:v5+s2+$0x0], $0xffff;
	v9 =	vand.u32 $0x7F, v9  }
0x8f: {  	v11 =	vld [tilespmem:s25+$0x50];
	_ =	sdelay $0x2  }
0x90: {  	[tilespmem:s25+$0x30] =	vst v10  }
0x91: {  	[tilespmem:s25+$0xFFFFFFB0] =	vst v5;
	v9 =	vld.idx.msk [tilespmem:v9+s2+$0x0], $0xffff  }
0x92: {  	v10 =	vand.u32 $0x7F, v11;
	v4 =	vld.idx.msk [tilespmem:v4+s2+$0x0], $0xffff  }
0x93: {  	v11 =	vld [tilespmem:s25+$0x60];
	_ =	sdelay $0x2  }
0x94: {  	[tilespmem:s25+$0x40] =	vst v9  }
0x95: {  	[tilespmem:s25+$0xFFFFFFC0] =	vst v4;
	v5 =	vld.idx.msk [tilespmem:v10+s2+$0x0], $0xffff  }
0x96: {  	v9 =	vand.u32 $0x7F, v11;
	v3 =	vld.idx.msk [tilespmem:v3+s2+$0x0], $0xffff  }
0x97: {  	v10 =	vld [tilespmem:s25+$0x70];
	_ =	sdelay $0x2  }
0x98: {  	[tilespmem:s25+$0x50] =	vst v5  }
0x99: {  	[tilespmem:s25+$0xFFFFFFD0] =	vst v3;
	v4 =	vld.idx.msk [tilespmem:v9+s2+$0x0], $0xffff  }
0x9a: {  	v5 =	vand.u32 $0x7F, v10;
	v2 =	vld.idx.msk [tilespmem:v2+s2+$0x0], $0xffff;
	_ =	sdelay $0x2  }
0x9b: {  	[tilespmem:s24+$0xFFFFFFE0] =	vst v7  }
0x9c: {  	v0 =	vld.idx.msk [tilespmem:v0+s2+$0x0], $0xffff;
	[tilespmem:s25+$0x60] =	vst v4  }
0x9d: {  	[tilespmem:s25+$0xFFFFFFE0] =	vst v2;
	v3 =	vld.idx.msk [tilespmem:v5+s2+$0x0], $0xffff  }
0x9e: {  	v1 =	vld.idx.msk [tilespmem:v1+s2+$0x0], $0xffff  }
0x9f: {  	[tilespmem:s24+$0x70] =	vst v6  }
0xa0: {  	[tilespmem:s23+$0xFFFFFFF0] =	vst v8  }
0xa1: {  	[tilespmem:s24+$0xFFFFFFF0] =	vst v0  }
0xa2: {  	[tilespmem:s25+$0x70] =	vst v3  }
0xa3: {  	[tilespmem:s25+$0xFFFFFFF0] =	vst v1  }
0xa4: {  	[hbm4b:s6+s13] =	stream.strided.scatter [tilespmem:s15], [sflag:$0x3], $0x6400, s14, s13, $0x38;
	[tilespmem:$0xC880] =	vst v63  }
0xa5: {  	_ =	swait.ge [sflag:s19], $0x6400  }
0xa6: {  	[sflag:s19] =	ssyncset.done $0x0  }
0xa7: {  	[sflag:s19] =	ssyncadd.s32 $0xFFFF9C00  }
0xa8: {  	[tilespmem:s15], [sflag:$0x1] =	stream.strided.gather [hbm4b:s7+s13], $0x6400, s14, s13, $0x38;
	[tilespmem:$0xC880] =	vst v63  }
0xa9: {  	_ =	swait.ge [sflag:s20], $0x6400  }
0xaa: {  	[sflag:s20] =	ssyncset.done $0x0  }
0xab: {  	s23 =	simm.s32 $0x6500;
	[sflag:s20] =	ssyncadd.s32 $0xFFFF9C00  }
0xac: {  	v0 =	vld [tilespmem:s23+$0x0];
	_ =	sdelay $0x3  }
0xad: {  	v1 =	vld [tilespmem:s23+$0xFFFFFF80]  }
0xae: {  	v2 =	vld [tilespmem:s23+$0x10];
	v0 =	vand.u32 $0x7F, v0  }
0xaf: {  	v3 =	vld [tilespmem:s23+$0xFFFFFF90]  }
0xb0: {  	v4 =	vld [tilespmem:s23+$0x20]  }
0xb1: {  	v5 =	vld [tilespmem:s23+$0xFFFFFFA0]  }
0xb2: {  	v6 =	vld [tilespmem:s23+$0xFFFFFFB0]  }
0xb3: {  	v1 =	vand.u32 $0x7F, v1;
	v0 =	vld.idx.msk [tilespmem:v0+s2+$0x0], $0xffff  }
0xb4: {  	v7 =	vld [tilespmem:s23+$0x30];
	v2 =	vand.u32 $0x7F, v2  }
0xb5: {  	s24 =	simm.s32 $0x6600;
	v8 =	vld [tilespmem:s23+$0xFFFFFFF0]  }
0xb6: {  	v9 =	vld [tilespmem:s24+$0xFFFFFF80]  }
0xb7: {  	v10 =	vld [tilespmem:s24+$0xFFFFFF90]  }
0xb8: {  	v1 =	vld.idx.msk [tilespmem:v1+s2+$0x0], $0xffff;
	[tilespmem:s23+$0x0] =	vst v0  }
0xb9: {  	v3 =	vand.u32 $0x7F, v3;
	v0 =	vld.idx.msk [tilespmem:v2+s2+$0x0], $0xffff  }
0xba: {  	v11 =	vld [tilespmem:s23+$0x50];
	v4 =	vand.u32 $0x7F, v4  }
0xbb: {  	v12 =	vld [tilespmem:s24+$0xFFFFFFA0]  }
0xbc: {  	v13 =	vld [tilespmem:s24+$0xFFFFFFB0]  }
0xbd: {  	v14 =	vld [tilespmem:s24+$0xFFFFFFC0];
	[tilespmem:s23+$0xFFFFFF80] =	vst v1  }
0xbe: {  	v1 =	vld.idx.msk [tilespmem:v3+s2+$0x0], $0xffff;
	[tilespmem:s23+$0x10] =	vst v0  }
0xbf: {  	v3 =	vand.u32 $0x7F, v5;
	v0 =	vld.idx.msk [tilespmem:v4+s2+$0x0], $0xffff  }
0xc0: {  	s25 =	simm.s32 $0x6700;
	v57 =	vld [tilespmem:s24+$0x50];
	v5 =	vand.u32 $0x7F, v7  }
0xc1: {  	v15 =	vld [tilespmem:s25+$0xFFFFFFA0]  }
0xc2: {  	v16 =	vld [tilespmem:s25+$0xFFFFFFB0]  }
0xc3: {  	[tilespmem:s23+$0xFFFFFF90] =	vst v1;
	v1 =	vld [tilespmem:s23+$0x40]  }
0xc4: {  	v3 =	vld.idx.msk [tilespmem:v3+s2+$0x0], $0xffff;
	[tilespmem:s23+$0x20] =	vst v0  }
0xc5: {  	v0 =	vld.idx.msk [tilespmem:v5+s2+$0x0], $0xffff  }
0xc6: {  	v5 =	vld [tilespmem:s24+$0x0]  }
0xc7: {  	v59 =	vld [tilespmem:s24+$0x60]  }
0xc8: {  	v17 =	vld [tilespmem:s25+$0xFFFFFFC0];
	v1 =	vand.u32 $0x7F, v1  }
0xc9: {  	v61 =	vld [tilespmem:s25+$0x30];
	v6 =	vand.u32 $0x7F, v6  }
0xca: {  	v2 =	vld [tilespmem:s23+$0xFFFFFFC0]  }
0xcb: {  	v4 =	vld [tilespmem:s23+$0xFFFFFFD0];
	[tilespmem:s23+$0xFFFFFFA0] =	vst v3;
	v5 =	vand.u32 $0x7F, v5  }
0xcc: {  	v3 =	vld [tilespmem:s24+$0x10];
	[tilespmem:s23+$0x30] =	vst v0;
	v0 =	vand.u32 $0x7F, v9  }
0xcd: {  	v1 =	vld.idx.msk [tilespmem:v1+s2+$0x0], $0xffff  }
0xce: {  	v6 =	vld.idx.msk [tilespmem:v6+s2+$0x0], $0xffff;
	v9 =	vand.u32 $0x7F, v11  }
0xcf: {  	v11 =	vld [tilespmem:s23+$0x60]  }
0xd0: {  	v2 =	vand.u32 $0x7F, v2;
	v5 =	vld.idx.msk [tilespmem:v5+s2+$0x0], $0xffff  }
0xd1: {  	v3 =	vand.u32 $0x7F, v3;
	v0 =	vld.idx.msk [tilespmem:v0+s2+$0x0], $0xffff  }
0xd2: {  	[tilespmem:s23+$0x40] =	vst v1;
	v1 =	vand.u32 $0x7F, v10;
	v10 =	vld [tilespmem:s24+$0x20]  }
0xd3: {  	v9 =	vld.idx.msk [tilespmem:v9+s2+$0x0], $0xffff  }
0xd4: {  	v62 =	vld [tilespmem:s25+$0xFFFFFFE0];
	[tilespmem:s23+$0xFFFFFFB0] =	vst v6;
	v6 =	vand.u32 $0x7F, v11  }
0xd5: {  	v2 =	vld.idx.msk [tilespmem:v2+s2+$0x0], $0xffff;
	[tilespmem:s24+$0x0] =	vst v5  }
0xd6: {  	v4 =	vand.u32 $0x7F, v4;
	[tilespmem:s24+$0xFFFFFF80] =	vst v0;
	v0 =	vld.idx.msk [tilespmem:v3+s2+$0x0], $0xffff  }
0xd7: {  	v1 =	vld.idx.msk [tilespmem:v1+s2+$0x0], $0xffff;
	v10 =	vand.u32 $0x7F, v10  }
0xd8: {  	[tilespmem:s23+$0x50] =	vst v9;
	v9 =	vld [tilespmem:s24+$0x30]  }
0xd9: {  	v6 =	vld.idx.msk [tilespmem:v6+s2+$0x0], $0xffff  }
0xda: {  	v7 =	vld [tilespmem:s23+$0xFFFFFFE0];
	[tilespmem:s23+$0xFFFFFFC0] =	vst v2  }
0xdb: {  	v2 =	vld.idx.msk [tilespmem:v4+s2+$0x0], $0xffff;
	[tilespmem:s24+$0x10] =	vst v0  }
0xdc: {  	v11 =	vand.u32 $0x7F, v12;
	[tilespmem:s24+$0xFFFFFF90] =	vst v1;
	v1 =	vld.idx.msk [tilespmem:v10+s2+$0x0], $0xffff  }
0xdd: {  	v19 =	vld [tilespmem:s25+$0xFFFFFFF0];
	v9 =	vand.u32 $0x7F, v9  }
0xde: {  	[tilespmem:s23+$0x60] =	vst v6;
	v6 =	vld [tilespmem:s24+$0x40]  }
0xdf: {  	v5 =	vld [tilespmem:s23+$0x70]  }
0xe0: {  	[tilespmem:s23+$0xFFFFFFD0] =	vst v2;
	v2 =	vld [tilespmem:s25+$0x0]  }
0xe1: {  	v0 =	vand.u32 $0x7F, v7;
	v7 =	vld.idx.msk [tilespmem:v11+s2+$0x0], $0xffff;
	[tilespmem:s24+$0x20] =	vst v1  }
0xe2: {  	v1 =	vld.idx.msk [tilespmem:v9+s2+$0x0], $0xffff  }
0xe3: {  	v9 =	vld [tilespmem:s25+$0xFFFFFF80];
	v6 =	vand.u32 $0x7F, v6  }
0xe4: {  	v56 =	vand.u32 $0x7F, v13;
	v3 =	vld [tilespmem:s24+$0xFFFFFFD0]  }
0xe5: {  	v4 =	vand.u32 $0x7F, v5;
	v5 =	vld [tilespmem:s24+$0xFFFFFFE0]  }
0xe6: {  	v11 =	vld [tilespmem:s25+$0xFFFFFF90];
	v2 =	vand.u32 $0x7F, v2;
	[tilespmem:s24+$0xFFFFFFA0] =	vst v7  }
0xe7: {  	v7 =	vld [tilespmem:s25+$0x10];
	[tilespmem:s24+$0x30] =	vst v1  }
0xe8: {  	v1 =	vand.u32 $0x7F, v9;
	v6 =	vld.idx.msk [tilespmem:v6+s2+$0x0], $0xffff  }
0xe9: {  	v9 =	vld.idx.msk [tilespmem:v56+s2+$0x0], $0xffff  }
0xea: {  	v58 =	vand.u32 $0x7F, v57;
	v10 =	vld [tilespmem:s24+$0xFFFFFFF0]  }
0xeb: {  	v2 =	vld.idx.msk [tilespmem:v2+s2+$0x0], $0xffff  }
0xec: {  	v14 =	vand.u32 $0x7F, v14;
	v4 =	vld.idx.msk [tilespmem:v4+s2+$0x0], $0xffff  }
0xed: {  	v1 =	vld.idx.msk [tilespmem:v1+s2+$0x0], $0xffff;
	[tilespmem:s24+$0x40] =	vst v6;
	v6 =	vand.u32 $0x7F, v7  }
0xee: {  	[tilespmem:s24+$0xFFFFFFB0] =	vst v9;
	v9 =	vld [tilespmem:s25+$0x20];
	v7 =	vand.u32 $0x7F, v11  }
0xef: {  	v11 =	vld.idx.msk [tilespmem:v58+s2+$0x0], $0xffff  }
0xf0: {  	v13 =	vand.u32 $0x7F, v59;
	[tilespmem:s25+$0x0] =	vst v2;
	v2 =	vld [tilespmem:s24+$0x70]  }
0xf1: {  	v60 =	vld.idx.msk [tilespmem:v14+s2+$0x0], $0xffff  }
0xf2: {  	[tilespmem:s25+$0xFFFFFF80] =	vst v1;
	v1 =	vand.u32 $0x7F, v3;
	v3 =	vld.idx.msk [tilespmem:v6+s2+$0x0], $0xffff  }
0xf3: {  	v6 =	vld.idx.msk [tilespmem:v7+s2+$0x0], $0xffff;
	v7 =	vand.u32 $0x7F, v9  }
0xf4: {  	v0 =	vld.idx.msk [tilespmem:v0+s2+$0x0], $0xffff;
	v9 =	vand.u32 $0x7F, v15;
	[tilespmem:s24+$0x50] =	vst v11  }
0xf5: {  	v13 =	vld.idx.msk [tilespmem:v13+s2+$0x0], $0xffff  }
0xf6: {  	v2 =	vand.u32 $0x7F, v2;
	[tilespmem:s24+$0xFFFFFFC0] =	vst v60;
	v11 =	vld [tilespmem:s25+$0xFFFFFFD0]  }
0xf7: {  	v8 =	vand.u32 $0x7F, v8;
	v1 =	vld.idx.msk [tilespmem:v1+s2+$0x0], $0xffff;
	[tilespmem:s25+$0x10] =	vst v3  }
0xf8: {  	v3 =	vand.u32 $0x7F, v5;
	[tilespmem:s25+$0xFFFFFF90] =	vst v6;
	v63 =	vld.idx.msk [tilespmem:v7+s2+$0x0], $0xffff  }
0xf9: {  	v12 =	vand.u32 $0x7F, v61;
	[tilespmem:s23+$0x70] =	vst v4;
	v18 =	vld.idx.msk [tilespmem:v9+s2+$0x0], $0xffff  }
0xfa: {  	v9 =	vld [tilespmem:s25+$0x40];
	[tilespmem:s24+$0x60] =	vst v13  }
0xfb: {  	[tilespmem:s23+$0xFFFFFFE0] =	vst v0;
	v6 =	vld.idx.msk [tilespmem:v2+s2+$0x0], $0xffff  }
0xfc: {  	v8 =	vld.idx.msk [tilespmem:v8+s2+$0x0], $0xffff;
	[tilespmem:s24+$0xFFFFFFD0] =	vst v1  }
0xfd: {  	v4 =	vand.u32 $0x7F, v17;
	v0 =	vand.u32 $0x7F, v10;
	v5 =	vand.u32 $0x7F, v16;
	v7 =	vld.idx.msk [tilespmem:v3+s2+$0x0], $0xffff;
	[tilespmem:s25+$0x20] =	vst v63  }
0xfe: {  	s26 =	simm.s32 $0x4;
	s28 =	simm.s32 $0x6800;
	v2 =	vand.u32 $0x7F, v62;
	v1 =	vand.u32 $0x7F, v19;
	v3 =	vand.u32 $0x7F, v11;
	[tilespmem:s25+$0xFFFFFFA0] =	vst v18;
	v10 =	vld.idx.msk [tilespmem:v12+s2+$0x0], $0xffff  }
.LBB2_4:
0xff: {  	v11 =	vld [tilespmem:s28+$0x0];
	s26 =	sadd.s32 $0x2, s26  }
0x100: {  	v12 =	vld [tilespmem:s28+$0xFFFFFF80];
	p0 =	slt.u32 s26, $0xC6;
	v9 =	vand.u32 $0x7F, v9;
	[tilespmem:s24+$0x70] =	vst v6  }
0x101: {  	v6 =	vld [tilespmem:s28+$0xFFFFFF90]  }
0x102: {  	v13 =	vld [tilespmem:s25+$0x50];
	[tilespmem:s24+$0xFFFFFFE0] =	vst v7  }
0x103: {  	v7 =	vld [tilespmem:s28+$0xFFFFFFA0];
	[tilespmem:s23+$0xFFFFFFF0] =	vst v8;
	s23 =	smov.u32 s24;
	s24 =	smov.u32 s25;
	s25 =	smov.u32 s28  }
0x104: {  	v8 =	vld [tilespmem:s28+$0xFFFFFFB0];
	v11 =	vand.u32 $0x7F, v11;
	[tilespmem:s24+$0x30] =	vst v10  }
0x105: {  	v10 =	vand.u32 $0x7F, v12;
	v9 =	vld.idx.msk [tilespmem:v9+s2+$0x0], $0xffff  }
0x106: {  	v6 =	vand.u32 $0x7F, v6;
	v12 =	vld [tilespmem:s28+$0x10]  }
0x107: {  	v14 =	vld.idx.msk [tilespmem:v5+s2+$0x0], $0xffff;
	v13 =	vand.u32 $0x7F, v13  }
0x108: {  	v7 =	vand.u32 $0x7F, v7;
	v15 =	vld [tilespmem:s24+$0x60]  }
0x109: {  	v5 =	vand.u32 $0x7F, v8;
	v8 =	vld.idx.msk [tilespmem:v11+s2+$0x0], $0xffff  }
0x10a: {  	v10 =	vld.idx.msk [tilespmem:v10+s2+$0x0], $0xffff  }
0x10b: {  	v11 =	vld [tilespmem:s28+$0xFFFFFFC0];
	v12 =	vand.u32 $0x7F, v12;
	[tilespmem:s24+$0x40] =	vst v9  }
0x10c: {  	v9 =	vld.idx.msk [tilespmem:v13+s2+$0x0], $0xffff  }
0x10d: {  	v13 =	vld [tilespmem:s28+$0x20];
	[tilespmem:s24+$0xFFFFFFB0] =	vst v14  }
0x10e: {  	v15 =	vand.u32 $0x7F, v15;
	v14 =	vld.idx.msk [tilespmem:v4+s2+$0x0], $0xffff  }
0x10f: {  	[tilespmem:s28+$0x0] =	vst v8;
	v8 =	vld [tilespmem:s24+$0x70]  }
0x110: {  	[tilespmem:s28+$0xFFFFFF80] =	vst v10;
	v4 =	vand.u32 $0x7F, v11;
	v10 =	vld.idx.msk [tilespmem:v12+s2+$0x0], $0xffff  }
0x111: {  	v6 =	vld.idx.msk [tilespmem:v6+s2+$0x0], $0xffff  }
0x112: {  	v11 =	vld [tilespmem:s28+$0xFFFFFFD0];
	v12 =	vand.u32 $0x7F, v13;
	[tilespmem:s24+$0x50] =	vst v9  }
0x113: {  	v9 =	vld.idx.msk [tilespmem:v15+s2+$0x0], $0xffff  }
0x114: {  	v13 =	vld [tilespmem:s28+$0x30];
	[tilespmem:s24+$0xFFFFFFC0] =	vst v14  }
0x115: {  	v8 =	vand.u32 $0x7F, v8;
	v14 =	vld.idx.msk [tilespmem:v3+s2+$0x0], $0xffff  }
0x116: {  	v15 =	vld [tilespmem:s28+$0xFFFFFFE0];
	[tilespmem:s28+$0x10] =	vst v10  }
0x117: {  	[tilespmem:s28+$0xFFFFFF90] =	vst v6;
	v3 =	vand.u32 $0x7F, v11;
	v10 =	vld.idx.msk [tilespmem:v12+s2+$0x0], $0xffff  }
0x118: {  	v11 =	vld.idx.msk [tilespmem:v7+s2+$0x0], $0xffff  }
0x119: {  	v12 =	vld [tilespmem:s28+$0xFFFFFFF0];
	v13 =	vand.u32 $0x7F, v13;
	[tilespmem:s24+$0x60] =	vst v9  }
.Ltmp1:
0x11a: {  	v6 =	vld.idx.msk [tilespmem:v8+s2+$0x0], $0xffff;
	(pc) =	sbr.rel @p0 .LBB2_4-.Ltmp1, $4  }
0x11b: {  	v8 =	vand.u32 $0x7F, v15;
	v9 =	vld [tilespmem:s28+$0x40];
	[tilespmem:s24+$0xFFFFFFD0] =	vst v14  }
0x11c: {  	v7 =	vld.idx.msk [tilespmem:v2+s2+$0x0], $0xffff;
	v2 =	vmov v8  }
0x11d: {  	[tilespmem:s28+$0x20] =	vst v10;
	v8 =	vld.idx.msk [tilespmem:v0+s2+$0x0], $0xffff;
	v0 =	vmov v1  }
0x11e: {  	s28 =	sadd.s32 $0x100, s28;
	[tilespmem:s25+$0xFFFFFFA0] =	vst v11;
	v1 =	vand.u32 $0x7F, v12;
	v10 =	vld.idx.msk [tilespmem:v13+s2+$0x0], $0xffff  }
0x11f: {  	_ =	sdelay $0x3  }
0x120: {  	v5 =	vld.idx.msk [tilespmem:v5+s2+$0x0], $0xffff;
	v9 =	vand.u32 $0x7F, v9  }
0x121: {  	v11 =	vld [tilespmem:s25+$0x50];
	_ =	sdelay $0x2  }
0x122: {  	[tilespmem:s25+$0x30] =	vst v10  }
0x123: {  	[tilespmem:s25+$0xFFFFFFB0] =	vst v5;
	v9 =	vld.idx.msk [tilespmem:v9+s2+$0x0], $0xffff  }
0x124: {  	v10 =	vand.u32 $0x7F, v11;
	v4 =	vld.idx.msk [tilespmem:v4+s2+$0x0], $0xffff  }
0x125: {  	v11 =	vld [tilespmem:s25+$0x60];
	_ =	sdelay $0x2  }
0x126: {  	[tilespmem:s25+$0x40] =	vst v9  }
0x127: {  	[tilespmem:s25+$0xFFFFFFC0] =	vst v4;
	v5 =	vld.idx.msk [tilespmem:v10+s2+$0x0], $0xffff  }
0x128: {  	v9 =	vand.u32 $0x7F, v11;
	v3 =	vld.idx.msk [tilespmem:v3+s2+$0x0], $0xffff  }
0x129: {  	v10 =	vld [tilespmem:s25+$0x70];
	_ =	sdelay $0x2  }
0x12a: {  	[tilespmem:s25+$0x50] =	vst v5  }
0x12b: {  	[tilespmem:s25+$0xFFFFFFD0] =	vst v3;
	v4 =	vld.idx.msk [tilespmem:v9+s2+$0x0], $0xffff  }
0x12c: {  	v5 =	vand.u32 $0x7F, v10;
	v2 =	vld.idx.msk [tilespmem:v2+s2+$0x0], $0xffff;
	_ =	sdelay $0x2  }
0x12d: {  	[tilespmem:s24+$0xFFFFFFE0] =	vst v7  }
0x12e: {  	v0 =	vld.idx.msk [tilespmem:v0+s2+$0x0], $0xffff;
	[tilespmem:s25+$0x60] =	vst v4  }
0x12f: {  	[tilespmem:s25+$0xFFFFFFE0] =	vst v2;
	v3 =	vld.idx.msk [tilespmem:v5+s2+$0x0], $0xffff  }
0x130: {  	v1 =	vld.idx.msk [tilespmem:v1+s2+$0x0], $0xffff  }
0x131: {  	[tilespmem:s24+$0x70] =	vst v6  }
0x132: {  	[tilespmem:s23+$0xFFFFFFF0] =	vst v8  }
0x133: {  	[tilespmem:s24+$0xFFFFFFF0] =	vst v0  }
0x134: {  	[tilespmem:s25+$0x70] =	vst v3  }
0x135: {  	[tilespmem:s25+$0xFFFFFFF0] =	vst v1  }
0x136: {  	[hbm4b:s8+s13] =	stream.strided.scatter [tilespmem:s17], [sflag:$0x4], $0x6400, s14, s13, $0x38;
	[tilespmem:$0xC880] =	vst v63  }
0x137: {  	_ =	swait.ge [sflag:s21], $0x6400  }
0x138: {  	[sflag:s21] =	ssyncset.done $0x0  }
0x139: {  	[sflag:s21] =	ssyncadd.s32 $0xFFFF9C00  }
0x13a: {  	[tilespmem:s17], [sflag:$0x2] =	stream.strided.gather [hbm4b:s9+s13], $0x6400, s14, s13, $0x38;
	[tilespmem:$0xC880] =	vst v63  }
0x13b: {  	_ =	swait.ge [sflag:s18], $0x6400  }
0x13c: {  	[sflag:s18] =	ssyncset.done $0x0  }
0x13d: {  	s23 =	simm.s32 $0x100;
	[sflag:s18] =	ssyncadd.s32 $0xFFFF9C00  }
0x13e: {  	v0 =	vld [tilespmem:s23+$0x0];
	_ =	sdelay $0x3  }
0x13f: {  	v1 =	vld [tilespmem:s23+$0xFFFFFF80]  }
0x140: {  	v2 =	vld [tilespmem:s23+$0x10];
	v0 =	vand.u32 $0x7F, v0  }
0x141: {  	v3 =	vld [tilespmem:s23+$0xFFFFFF90]  }
0x142: {  	v4 =	vld [tilespmem:s23+$0x20]  }
0x143: {  	v5 =	vld [tilespmem:s23+$0xFFFFFFA0]  }
0x144: {  	v6 =	vld [tilespmem:s23+$0xFFFFFFB0]  }
0x145: {  	v1 =	vand.u32 $0x7F, v1;
	v0 =	vld.idx.msk [tilespmem:v0+s2+$0x0], $0xffff  }
0x146: {  	v7 =	vld [tilespmem:s23+$0x30];
	v2 =	vand.u32 $0x7F, v2  }
0x147: {  	s24 =	simm.s32 $0x200;
	v8 =	vld [tilespmem:s23+$0xFFFFFFF0]  }
0x148: {  	v9 =	vld [tilespmem:s24+$0xFFFFFF80]  }
0x149: {  	v10 =	vld [tilespmem:s24+$0xFFFFFF90]  }
0x14a: {  	v1 =	vld.idx.msk [tilespmem:v1+s2+$0x0], $0xffff;
	[tilespmem:s23+$0x0] =	vst v0  }
0x14b: {  	v3 =	vand.u32 $0x7F, v3;
	v0 =	vld.idx.msk [tilespmem:v2+s2+$0x0], $0xffff  }
0x14c: {  	v11 =	vld [tilespmem:s23+$0x50];
	v4 =	vand.u32 $0x7F, v4  }
0x14d: {  	v12 =	vld [tilespmem:s24+$0xFFFFFFA0]  }
0x14e: {  	v13 =	vld [tilespmem:s24+$0xFFFFFFB0]  }
0x14f: {  	v14 =	vld [tilespmem:s24+$0xFFFFFFC0];
	[tilespmem:s23+$0xFFFFFF80] =	vst v1  }
0x150: {  	v1 =	vld.idx.msk [tilespmem:v3+s2+$0x0], $0xffff;
	[tilespmem:s23+$0x10] =	vst v0  }
0x151: {  	v3 =	vand.u32 $0x7F, v5;
	v0 =	vld.idx.msk [tilespmem:v4+s2+$0x0], $0xffff  }
0x152: {  	s25 =	simm.s32 $0x300;
	v57 =	vld [tilespmem:s24+$0x50];
	v5 =	vand.u32 $0x7F, v7  }
0x153: {  	v15 =	vld [tilespmem:s25+$0xFFFFFFA0]  }
0x154: {  	v16 =	vld [tilespmem:s25+$0xFFFFFFB0]  }
0x155: {  	[tilespmem:s23+$0xFFFFFF90] =	vst v1;
	v1 =	vld [tilespmem:s23+$0x40]  }
0x156: {  	v3 =	vld.idx.msk [tilespmem:v3+s2+$0x0], $0xffff;
	[tilespmem:s23+$0x20] =	vst v0  }
0x157: {  	v0 =	vld.idx.msk [tilespmem:v5+s2+$0x0], $0xffff  }
0x158: {  	v5 =	vld [tilespmem:s24+$0x0]  }
0x159: {  	v59 =	vld [tilespmem:s24+$0x60]  }
0x15a: {  	v17 =	vld [tilespmem:s25+$0xFFFFFFC0];
	v1 =	vand.u32 $0x7F, v1  }
0x15b: {  	v61 =	vld [tilespmem:s25+$0x30];
	v6 =	vand.u32 $0x7F, v6  }
0x15c: {  	v2 =	vld [tilespmem:s23+$0xFFFFFFC0]  }
0x15d: {  	v4 =	vld [tilespmem:s23+$0xFFFFFFD0];
	[tilespmem:s23+$0xFFFFFFA0] =	vst v3;
	v5 =	vand.u32 $0x7F, v5  }
0x15e: {  	v3 =	vld [tilespmem:s24+$0x10];
	[tilespmem:s23+$0x30] =	vst v0;
	v0 =	vand.u32 $0x7F, v9  }
0x15f: {  	v1 =	vld.idx.msk [tilespmem:v1+s2+$0x0], $0xffff  }
0x160: {  	v6 =	vld.idx.msk [tilespmem:v6+s2+$0x0], $0xffff;
	v9 =	vand.u32 $0x7F, v11  }
0x161: {  	v11 =	vld [tilespmem:s23+$0x60]  }
0x162: {  	v2 =	vand.u32 $0x7F, v2;
	v5 =	vld.idx.msk [tilespmem:v5+s2+$0x0], $0xffff  }
0x163: {  	v3 =	vand.u32 $0x7F, v3;
	v0 =	vld.idx.msk [tilespmem:v0+s2+$0x0], $0xffff  }
0x164: {  	[tilespmem:s23+$0x40] =	vst v1;
	v1 =	vand.u32 $0x7F, v10;
	v10 =	vld [tilespmem:s24+$0x20]  }
0x165: {  	v9 =	vld.idx.msk [tilespmem:v9+s2+$0x0], $0xffff  }
0x166: {  	v62 =	vld [tilespmem:s25+$0xFFFFFFE0];
	[tilespmem:s23+$0xFFFFFFB0] =	vst v6;
	v6 =	vand.u32 $0x7F, v11  }
0x167: {  	v2 =	vld.idx.msk [tilespmem:v2+s2+$0x0], $0xffff;
	[tilespmem:s24+$0x0] =	vst v5  }
0x168: {  	v4 =	vand.u32 $0x7F, v4;
	[tilespmem:s24+$0xFFFFFF80] =	vst v0;
	v0 =	vld.idx.msk [tilespmem:v3+s2+$0x0], $0xffff  }
0x169: {  	v1 =	vld.idx.msk [tilespmem:v1+s2+$0x0], $0xffff;
	v10 =	vand.u32 $0x7F, v10  }
0x16a: {  	[tilespmem:s23+$0x50] =	vst v9;
	v9 =	vld [tilespmem:s24+$0x30]  }
0x16b: {  	v6 =	vld.idx.msk [tilespmem:v6+s2+$0x0], $0xffff  }
0x16c: {  	v7 =	vld [tilespmem:s23+$0xFFFFFFE0];
	[tilespmem:s23+$0xFFFFFFC0] =	vst v2  }
0x16d: {  	v2 =	vld.idx.msk [tilespmem:v4+s2+$0x0], $0xffff;
	[tilespmem:s24+$0x10] =	vst v0  }
0x16e: {  	v11 =	vand.u32 $0x7F, v12;
	[tilespmem:s24+$0xFFFFFF90] =	vst v1;
	v1 =	vld.idx.msk [tilespmem:v10+s2+$0x0], $0xffff  }
0x16f: {  	v19 =	vld [tilespmem:s25+$0xFFFFFFF0];
	v9 =	vand.u32 $0x7F, v9  }
0x170: {  	[tilespmem:s23+$0x60] =	vst v6;
	v6 =	vld [tilespmem:s24+$0x40]  }
0x171: {  	v5 =	vld [tilespmem:s23+$0x70]  }
0x172: {  	[tilespmem:s23+$0xFFFFFFD0] =	vst v2;
	v2 =	vld [tilespmem:s25+$0x0]  }
0x173: {  	v0 =	vand.u32 $0x7F, v7;
	v7 =	vld.idx.msk [tilespmem:v11+s2+$0x0], $0xffff;
	[tilespmem:s24+$0x20] =	vst v1  }
0x174: {  	v1 =	vld.idx.msk [tilespmem:v9+s2+$0x0], $0xffff  }
0x175: {  	v9 =	vld [tilespmem:s25+$0xFFFFFF80];
	v6 =	vand.u32 $0x7F, v6  }
0x176: {  	v56 =	vand.u32 $0x7F, v13;
	v3 =	vld [tilespmem:s24+$0xFFFFFFD0]  }
0x177: {  	v4 =	vand.u32 $0x7F, v5;
	v5 =	vld [tilespmem:s24+$0xFFFFFFE0]  }
0x178: {  	v11 =	vld [tilespmem:s25+$0xFFFFFF90];
	v2 =	vand.u32 $0x7F, v2;
	[tilespmem:s24+$0xFFFFFFA0] =	vst v7  }
0x179: {  	v7 =	vld [tilespmem:s25+$0x10];
	[tilespmem:s24+$0x30] =	vst v1  }
0x17a: {  	v1 =	vand.u32 $0x7F, v9;
	v6 =	vld.idx.msk [tilespmem:v6+s2+$0x0], $0xffff  }
0x17b: {  	v9 =	vld.idx.msk [tilespmem:v56+s2+$0x0], $0xffff  }
0x17c: {  	v58 =	vand.u32 $0x7F, v57;
	v10 =	vld [tilespmem:s24+$0xFFFFFFF0]  }
0x17d: {  	v2 =	vld.idx.msk [tilespmem:v2+s2+$0x0], $0xffff  }
0x17e: {  	v14 =	vand.u32 $0x7F, v14;
	v4 =	vld.idx.msk [tilespmem:v4+s2+$0x0], $0xffff  }
0x17f: {  	v1 =	vld.idx.msk [tilespmem:v1+s2+$0x0], $0xffff;
	[tilespmem:s24+$0x40] =	vst v6;
	v6 =	vand.u32 $0x7F, v7  }
0x180: {  	[tilespmem:s24+$0xFFFFFFB0] =	vst v9;
	v9 =	vld [tilespmem:s25+$0x20];
	v7 =	vand.u32 $0x7F, v11  }
0x181: {  	v11 =	vld.idx.msk [tilespmem:v58+s2+$0x0], $0xffff  }
0x182: {  	v13 =	vand.u32 $0x7F, v59;
	[tilespmem:s25+$0x0] =	vst v2;
	v2 =	vld [tilespmem:s24+$0x70]  }
0x183: {  	v60 =	vld.idx.msk [tilespmem:v14+s2+$0x0], $0xffff  }
0x184: {  	[tilespmem:s25+$0xFFFFFF80] =	vst v1;
	v1 =	vand.u32 $0x7F, v3;
	v3 =	vld.idx.msk [tilespmem:v6+s2+$0x0], $0xffff  }
0x185: {  	v6 =	vld.idx.msk [tilespmem:v7+s2+$0x0], $0xffff;
	v7 =	vand.u32 $0x7F, v9  }
0x186: {  	v0 =	vld.idx.msk [tilespmem:v0+s2+$0x0], $0xffff;
	v9 =	vand.u32 $0x7F, v15;
	[tilespmem:s24+$0x50] =	vst v11  }
0x187: {  	v13 =	vld.idx.msk [tilespmem:v13+s2+$0x0], $0xffff  }
0x188: {  	v2 =	vand.u32 $0x7F, v2;
	[tilespmem:s24+$0xFFFFFFC0] =	vst v60;
	v11 =	vld [tilespmem:s25+$0xFFFFFFD0]  }
0x189: {  	v8 =	vand.u32 $0x7F, v8;
	v1 =	vld.idx.msk [tilespmem:v1+s2+$0x0], $0xffff;
	[tilespmem:s25+$0x10] =	vst v3  }
0x18a: {  	v3 =	vand.u32 $0x7F, v5;
	[tilespmem:s25+$0xFFFFFF90] =	vst v6;
	v63 =	vld.idx.msk [tilespmem:v7+s2+$0x0], $0xffff  }
0x18b: {  	v12 =	vand.u32 $0x7F, v61;
	[tilespmem:s23+$0x70] =	vst v4;
	v18 =	vld.idx.msk [tilespmem:v9+s2+$0x0], $0xffff  }
0x18c: {  	v9 =	vld [tilespmem:s25+$0x40];
	[tilespmem:s24+$0x60] =	vst v13  }
0x18d: {  	[tilespmem:s23+$0xFFFFFFE0] =	vst v0;
	v6 =	vld.idx.msk [tilespmem:v2+s2+$0x0], $0xffff  }
0x18e: {  	v8 =	vld.idx.msk [tilespmem:v8+s2+$0x0], $0xffff;
	[tilespmem:s24+$0xFFFFFFD0] =	vst v1  }
0x18f: {  	v4 =	vand.u32 $0x7F, v17;
	v0 =	vand.u32 $0x7F, v10;
	v5 =	vand.u32 $0x7F, v16;
	v7 =	vld.idx.msk [tilespmem:v3+s2+$0x0], $0xffff;
	[tilespmem:s25+$0x20] =	vst v63  }
0x190: {  	s26 =	simm.s32 $0x4;
	s28 =	simm.s32 $0x400;
	v2 =	vand.u32 $0x7F, v62;
	v1 =	vand.u32 $0x7F, v19;
	v3 =	vand.u32 $0x7F, v11;
	[tilespmem:s25+$0xFFFFFFA0] =	vst v18;
	v10 =	vld.idx.msk [tilespmem:v12+s2+$0x0], $0xffff  }
.LBB2_6:
0x191: {  	v11 =	vld [tilespmem:s28+$0x0];
	s26 =	sadd.s32 $0x2, s26  }
0x192: {  	v12 =	vld [tilespmem:s28+$0xFFFFFF80];
	p0 =	slt.u32 s26, $0xC6;
	v9 =	vand.u32 $0x7F, v9;
	[tilespmem:s24+$0x70] =	vst v6  }
0x193: {  	v6 =	vld [tilespmem:s28+$0xFFFFFF90]  }
0x194: {  	v13 =	vld [tilespmem:s25+$0x50];
	[tilespmem:s24+$0xFFFFFFE0] =	vst v7  }
0x195: {  	v7 =	vld [tilespmem:s28+$0xFFFFFFA0];
	[tilespmem:s23+$0xFFFFFFF0] =	vst v8;
	s23 =	smov.u32 s24;
	s24 =	smov.u32 s25;
	s25 =	smov.u32 s28  }
0x196: {  	v8 =	vld [tilespmem:s28+$0xFFFFFFB0];
	v11 =	vand.u32 $0x7F, v11;
	[tilespmem:s24+$0x30] =	vst v10  }
0x197: {  	v10 =	vand.u32 $0x7F, v12;
	v9 =	vld.idx.msk [tilespmem:v9+s2+$0x0], $0xffff  }
0x198: {  	v6 =	vand.u32 $0x7F, v6;
	v12 =	vld [tilespmem:s28+$0x10]  }
0x199: {  	v14 =	vld.idx.msk [tilespmem:v5+s2+$0x0], $0xffff;
	v13 =	vand.u32 $0x7F, v13  }
0x19a: {  	v7 =	vand.u32 $0x7F, v7;
	v15 =	vld [tilespmem:s24+$0x60]  }
0x19b: {  	v5 =	vand.u32 $0x7F, v8;
	v8 =	vld.idx.msk [tilespmem:v11+s2+$0x0], $0xffff  }
0x19c: {  	v10 =	vld.idx.msk [tilespmem:v10+s2+$0x0], $0xffff  }
0x19d: {  	v11 =	vld [tilespmem:s28+$0xFFFFFFC0];
	v12 =	vand.u32 $0x7F, v12;
	[tilespmem:s24+$0x40] =	vst v9  }
0x19e: {  	v9 =	vld.idx.msk [tilespmem:v13+s2+$0x0], $0xffff  }
0x19f: {  	v13 =	vld [tilespmem:s28+$0x20];
	[tilespmem:s24+$0xFFFFFFB0] =	vst v14  }
0x1a0: {  	v15 =	vand.u32 $0x7F, v15;
	v14 =	vld.idx.msk [tilespmem:v4+s2+$0x0], $0xffff  }
0x1a1: {  	[tilespmem:s28+$0x0] =	vst v8;
	v8 =	vld [tilespmem:s24+$0x70]  }
0x1a2: {  	[tilespmem:s28+$0xFFFFFF80] =	vst v10;
	v4 =	vand.u32 $0x7F, v11;
	v10 =	vld.idx.msk [tilespmem:v12+s2+$0x0], $0xffff  }
0x1a3: {  	v6 =	vld.idx.msk [tilespmem:v6+s2+$0x0], $0xffff  }
0x1a4: {  	v11 =	vld [tilespmem:s28+$0xFFFFFFD0];
	v12 =	vand.u32 $0x7F, v13;
	[tilespmem:s24+$0x50] =	vst v9  }
0x1a5: {  	v9 =	vld.idx.msk [tilespmem:v15+s2+$0x0], $0xffff  }
0x1a6: {  	v13 =	vld [tilespmem:s28+$0x30];
	[tilespmem:s24+$0xFFFFFFC0] =	vst v14  }
0x1a7: {  	v8 =	vand.u32 $0x7F, v8;
	v14 =	vld.idx.msk [tilespmem:v3+s2+$0x0], $0xffff  }
0x1a8: {  	v15 =	vld [tilespmem:s28+$0xFFFFFFE0];
	[tilespmem:s28+$0x10] =	vst v10  }
0x1a9: {  	[tilespmem:s28+$0xFFFFFF90] =	vst v6;
	v3 =	vand.u32 $0x7F, v11;
	v10 =	vld.idx.msk [tilespmem:v12+s2+$0x0], $0xffff  }
0x1aa: {  	v11 =	vld.idx.msk [tilespmem:v7+s2+$0x0], $0xffff  }
0x1ab: {  	v12 =	vld [tilespmem:s28+$0xFFFFFFF0];
	v13 =	vand.u32 $0x7F, v13;
	[tilespmem:s24+$0x60] =	vst v9  }
.Ltmp2:
0x1ac: {  	v6 =	vld.idx.msk [tilespmem:v8+s2+$0x0], $0xffff;
	(pc) =	sbr.rel @p0 .LBB2_6-.Ltmp2, $4  }
0x1ad: {  	v8 =	vand.u32 $0x7F, v15;
	v9 =	vld [tilespmem:s28+$0x40];
	[tilespmem:s24+$0xFFFFFFD0] =	vst v14  }
0x1ae: {  	v7 =	vld.idx.msk [tilespmem:v2+s2+$0x0], $0xffff;
	v2 =	vmov v8  }
0x1af: {  	[tilespmem:s28+$0x20] =	vst v10;
	v8 =	vld.idx.msk [tilespmem:v0+s2+$0x0], $0xffff;
	v0 =	vmov v1  }
0x1b0: {  	s28 =	sadd.s32 $0x100, s28;
	[tilespmem:s25+$0xFFFFFFA0] =	vst v11;
	v1 =	vand.u32 $0x7F, v12;
	v10 =	vld.idx.msk [tilespmem:v13+s2+$0x0], $0xffff  }
0x1b1: {  	_ =	sdelay $0x3  }
0x1b2: {  	v5 =	vld.idx.msk [tilespmem:v5+s2+$0x0], $0xffff;
	v9 =	vand.u32 $0x7F, v9  }
0x1b3: {  	v11 =	vld [tilespmem:s25+$0x50];
	_ =	sdelay $0x2  }
0x1b4: {  	[tilespmem:s25+$0x30] =	vst v10  }
0x1b5: {  	[tilespmem:s25+$0xFFFFFFB0] =	vst v5;
	v9 =	vld.idx.msk [tilespmem:v9+s2+$0x0], $0xffff  }
0x1b6: {  	v10 =	vand.u32 $0x7F, v11;
	v4 =	vld.idx.msk [tilespmem:v4+s2+$0x0], $0xffff  }
0x1b7: {  	v11 =	vld [tilespmem:s25+$0x60];
	_ =	sdelay $0x2  }
0x1b8: {  	[tilespmem:s25+$0x40] =	vst v9  }
0x1b9: {  	[tilespmem:s25+$0xFFFFFFC0] =	vst v4;
	v5 =	vld.idx.msk [tilespmem:v10+s2+$0x0], $0xffff  }
0x1ba: {  	v9 =	vand.u32 $0x7F, v11;
	v3 =	vld.idx.msk [tilespmem:v3+s2+$0x0], $0xffff  }
0x1bb: {  	v10 =	vld [tilespmem:s25+$0x70];
	_ =	sdelay $0x2  }
0x1bc: {  	[tilespmem:s25+$0x50] =	vst v5  }
0x1bd: {  	[tilespmem:s25+$0xFFFFFFD0] =	vst v3;
	v4 =	vld.idx.msk [tilespmem:v9+s2+$0x0], $0xffff  }
0x1be: {  	v5 =	vand.u32 $0x7F, v10;
	v2 =	vld.idx.msk [tilespmem:v2+s2+$0x0], $0xffff;
	_ =	sdelay $0x2  }
0x1bf: {  	[tilespmem:s24+$0xFFFFFFE0] =	vst v7  }
0x1c0: {  	v0 =	vld.idx.msk [tilespmem:v0+s2+$0x0], $0xffff;
	[tilespmem:s25+$0x60] =	vst v4  }
0x1c1: {  	[tilespmem:s25+$0xFFFFFFE0] =	vst v2;
	v3 =	vld.idx.msk [tilespmem:v5+s2+$0x0], $0xffff  }
0x1c2: {  	v1 =	vld.idx.msk [tilespmem:v1+s2+$0x0], $0xffff  }
0x1c3: {  	[tilespmem:s24+$0x70] =	vst v6  }
0x1c4: {  	[tilespmem:s23+$0xFFFFFFF0] =	vst v8  }
0x1c5: {  	[tilespmem:s24+$0xFFFFFFF0] =	vst v0  }
0x1c6: {  	[tilespmem:s25+$0x70] =	vst v3  }
0x1c7: {  	[tilespmem:s25+$0xFFFFFFF0] =	vst v1  }
0x1c8: {  	[hbm4b:s10+s13] =	stream.strided.scatter [tilespmem:s15], [sflag:$0x3], $0x6400, s14, s13, $0x38;
	[tilespmem:$0xC880] =	vst v63  }
0x1c9: {  	_ =	swait.ge [sflag:s20], $0x6400  }
0x1ca: {  	[sflag:s20] =	ssyncset.done $0x0  }
0x1cb: {  	s23 =	simm.s32 $0x6500;
	[sflag:s20] =	ssyncadd.s32 $0xFFFF9C00  }
0x1cc: {  	v0 =	vld [tilespmem:s23+$0x0];
	_ =	sdelay $0x3  }
0x1cd: {  	v1 =	vld [tilespmem:s23+$0xFFFFFF80]  }
0x1ce: {  	v2 =	vld [tilespmem:s23+$0x10];
	v0 =	vand.u32 $0x7F, v0  }
0x1cf: {  	v3 =	vld [tilespmem:s23+$0xFFFFFF90]  }
0x1d0: {  	v4 =	vld [tilespmem:s23+$0x20]  }
0x1d1: {  	v5 =	vld [tilespmem:s23+$0xFFFFFFA0]  }
0x1d2: {  	v6 =	vld [tilespmem:s23+$0xFFFFFFB0]  }
0x1d3: {  	v1 =	vand.u32 $0x7F, v1;
	v0 =	vld.idx.msk [tilespmem:v0+s2+$0x0], $0xffff  }
0x1d4: {  	v7 =	vld [tilespmem:s23+$0x30];
	v2 =	vand.u32 $0x7F, v2  }
0x1d5: {  	s24 =	simm.s32 $0x6600;
	v8 =	vld [tilespmem:s23+$0xFFFFFFF0]  }
0x1d6: {  	v9 =	vld [tilespmem:s24+$0xFFFFFF80]  }
0x1d7: {  	v10 =	vld [tilespmem:s24+$0xFFFFFF90]  }
0x1d8: {  	v1 =	vld.idx.msk [tilespmem:v1+s2+$0x0], $0xffff;
	[tilespmem:s23+$0x0] =	vst v0  }
0x1d9: {  	v3 =	vand.u32 $0x7F, v3;
	v0 =	vld.idx.msk [tilespmem:v2+s2+$0x0], $0xffff  }
0x1da: {  	v11 =	vld [tilespmem:s23+$0x50];
	v4 =	vand.u32 $0x7F, v4  }
0x1db: {  	v12 =	vld [tilespmem:s24+$0xFFFFFFA0]  }
0x1dc: {  	v13 =	vld [tilespmem:s24+$0xFFFFFFB0]  }
0x1dd: {  	v14 =	vld [tilespmem:s24+$0xFFFFFFC0];
	[tilespmem:s23+$0xFFFFFF80] =	vst v1  }
0x1de: {  	v1 =	vld.idx.msk [tilespmem:v3+s2+$0x0], $0xffff;
	[tilespmem:s23+$0x10] =	vst v0  }
0x1df: {  	v3 =	vand.u32 $0x7F, v5;
	v0 =	vld.idx.msk [tilespmem:v4+s2+$0x0], $0xffff  }
0x1e0: {  	s25 =	simm.s32 $0x6700;
	v57 =	vld [tilespmem:s24+$0x50];
	v5 =	vand.u32 $0x7F, v7  }
0x1e1: {  	v15 =	vld [tilespmem:s25+$0xFFFFFFA0]  }
0x1e2: {  	v16 =	vld [tilespmem:s25+$0xFFFFFFB0]  }
0x1e3: {  	[tilespmem:s23+$0xFFFFFF90] =	vst v1;
	v1 =	vld [tilespmem:s23+$0x40]  }
0x1e4: {  	v3 =	vld.idx.msk [tilespmem:v3+s2+$0x0], $0xffff;
	[tilespmem:s23+$0x20] =	vst v0  }
0x1e5: {  	v0 =	vld.idx.msk [tilespmem:v5+s2+$0x0], $0xffff  }
0x1e6: {  	v5 =	vld [tilespmem:s24+$0x0]  }
0x1e7: {  	v59 =	vld [tilespmem:s24+$0x60]  }
0x1e8: {  	v17 =	vld [tilespmem:s25+$0xFFFFFFC0];
	v1 =	vand.u32 $0x7F, v1  }
0x1e9: {  	v61 =	vld [tilespmem:s25+$0x30];
	v6 =	vand.u32 $0x7F, v6  }
0x1ea: {  	v2 =	vld [tilespmem:s23+$0xFFFFFFC0]  }
0x1eb: {  	v4 =	vld [tilespmem:s23+$0xFFFFFFD0];
	[tilespmem:s23+$0xFFFFFFA0] =	vst v3;
	v5 =	vand.u32 $0x7F, v5  }
0x1ec: {  	v3 =	vld [tilespmem:s24+$0x10];
	[tilespmem:s23+$0x30] =	vst v0;
	v0 =	vand.u32 $0x7F, v9  }
0x1ed: {  	v1 =	vld.idx.msk [tilespmem:v1+s2+$0x0], $0xffff  }
0x1ee: {  	v6 =	vld.idx.msk [tilespmem:v6+s2+$0x0], $0xffff;
	v9 =	vand.u32 $0x7F, v11  }
0x1ef: {  	v11 =	vld [tilespmem:s23+$0x60]  }
0x1f0: {  	v2 =	vand.u32 $0x7F, v2;
	v5 =	vld.idx.msk [tilespmem:v5+s2+$0x0], $0xffff  }
0x1f1: {  	v3 =	vand.u32 $0x7F, v3;
	v0 =	vld.idx.msk [tilespmem:v0+s2+$0x0], $0xffff  }
0x1f2: {  	[tilespmem:s23+$0x40] =	vst v1;
	v1 =	vand.u32 $0x7F, v10;
	v10 =	vld [tilespmem:s24+$0x20]  }
0x1f3: {  	v9 =	vld.idx.msk [tilespmem:v9+s2+$0x0], $0xffff  }
0x1f4: {  	v62 =	vld [tilespmem:s25+$0xFFFFFFE0];
	[tilespmem:s23+$0xFFFFFFB0] =	vst v6;
	v6 =	vand.u32 $0x7F, v11  }
0x1f5: {  	v2 =	vld.idx.msk [tilespmem:v2+s2+$0x0], $0xffff;
	[tilespmem:s24+$0x0] =	vst v5  }
0x1f6: {  	v4 =	vand.u32 $0x7F, v4;
	[tilespmem:s24+$0xFFFFFF80] =	vst v0;
	v0 =	vld.idx.msk [tilespmem:v3+s2+$0x0], $0xffff  }
0x1f7: {  	v1 =	vld.idx.msk [tilespmem:v1+s2+$0x0], $0xffff;
	v10 =	vand.u32 $0x7F, v10  }
0x1f8: {  	[tilespmem:s23+$0x50] =	vst v9;
	v9 =	vld [tilespmem:s24+$0x30]  }
0x1f9: {  	v6 =	vld.idx.msk [tilespmem:v6+s2+$0x0], $0xffff  }
0x1fa: {  	v7 =	vld [tilespmem:s23+$0xFFFFFFE0];
	[tilespmem:s23+$0xFFFFFFC0] =	vst v2  }
0x1fb: {  	v2 =	vld.idx.msk [tilespmem:v4+s2+$0x0], $0xffff;
	[tilespmem:s24+$0x10] =	vst v0  }
0x1fc: {  	v11 =	vand.u32 $0x7F, v12;
	[tilespmem:s24+$0xFFFFFF90] =	vst v1;
	v1 =	vld.idx.msk [tilespmem:v10+s2+$0x0], $0xffff  }
0x1fd: {  	v19 =	vld [tilespmem:s25+$0xFFFFFFF0];
	v9 =	vand.u32 $0x7F, v9  }
0x1fe: {  	[tilespmem:s23+$0x60] =	vst v6;
	v6 =	vld [tilespmem:s24+$0x40]  }
0x1ff: {  	v5 =	vld [tilespmem:s23+$0x70]  }
0x200: {  	[tilespmem:s23+$0xFFFFFFD0] =	vst v2;
	v2 =	vld [tilespmem:s25+$0x0]  }
0x201: {  	v0 =	vand.u32 $0x7F, v7;
	v7 =	vld.idx.msk [tilespmem:v11+s2+$0x0], $0xffff;
	[tilespmem:s24+$0x20] =	vst v1  }
0x202: {  	v1 =	vld.idx.msk [tilespmem:v9+s2+$0x0], $0xffff  }
0x203: {  	v9 =	vld [tilespmem:s25+$0xFFFFFF80];
	v6 =	vand.u32 $0x7F, v6  }
0x204: {  	v56 =	vand.u32 $0x7F, v13;
	v3 =	vld [tilespmem:s24+$0xFFFFFFD0]  }
0x205: {  	v4 =	vand.u32 $0x7F, v5;
	v5 =	vld [tilespmem:s24+$0xFFFFFFE0]  }
0x206: {  	v11 =	vld [tilespmem:s25+$0xFFFFFF90];
	v2 =	vand.u32 $0x7F, v2;
	[tilespmem:s24+$0xFFFFFFA0] =	vst v7  }
0x207: {  	v7 =	vld [tilespmem:s25+$0x10];
	[tilespmem:s24+$0x30] =	vst v1  }
0x208: {  	v1 =	vand.u32 $0x7F, v9;
	v6 =	vld.idx.msk [tilespmem:v6+s2+$0x0], $0xffff  }
0x209: {  	v9 =	vld.idx.msk [tilespmem:v56+s2+$0x0], $0xffff  }
0x20a: {  	v58 =	vand.u32 $0x7F, v57;
	v10 =	vld [tilespmem:s24+$0xFFFFFFF0]  }
0x20b: {  	v2 =	vld.idx.msk [tilespmem:v2+s2+$0x0], $0xffff  }
0x20c: {  	v14 =	vand.u32 $0x7F, v14;
	v4 =	vld.idx.msk [tilespmem:v4+s2+$0x0], $0xffff  }
0x20d: {  	v1 =	vld.idx.msk [tilespmem:v1+s2+$0x0], $0xffff;
	[tilespmem:s24+$0x40] =	vst v6;
	v6 =	vand.u32 $0x7F, v7  }
0x20e: {  	[tilespmem:s24+$0xFFFFFFB0] =	vst v9;
	v9 =	vld [tilespmem:s25+$0x20];
	v7 =	vand.u32 $0x7F, v11  }
0x20f: {  	v11 =	vld.idx.msk [tilespmem:v58+s2+$0x0], $0xffff  }
0x210: {  	v13 =	vand.u32 $0x7F, v59;
	[tilespmem:s25+$0x0] =	vst v2;
	v2 =	vld [tilespmem:s24+$0x70]  }
0x211: {  	v60 =	vld.idx.msk [tilespmem:v14+s2+$0x0], $0xffff  }
0x212: {  	[tilespmem:s25+$0xFFFFFF80] =	vst v1;
	v1 =	vand.u32 $0x7F, v3;
	v3 =	vld.idx.msk [tilespmem:v6+s2+$0x0], $0xffff  }
0x213: {  	v6 =	vld.idx.msk [tilespmem:v7+s2+$0x0], $0xffff;
	v7 =	vand.u32 $0x7F, v9  }
0x214: {  	v0 =	vld.idx.msk [tilespmem:v0+s2+$0x0], $0xffff;
	v9 =	vand.u32 $0x7F, v15;
	[tilespmem:s24+$0x50] =	vst v11  }
0x215: {  	v13 =	vld.idx.msk [tilespmem:v13+s2+$0x0], $0xffff  }
0x216: {  	v2 =	vand.u32 $0x7F, v2;
	[tilespmem:s24+$0xFFFFFFC0] =	vst v60;
	v11 =	vld [tilespmem:s25+$0xFFFFFFD0]  }
0x217: {  	v8 =	vand.u32 $0x7F, v8;
	v1 =	vld.idx.msk [tilespmem:v1+s2+$0x0], $0xffff;
	[tilespmem:s25+$0x10] =	vst v3  }
0x218: {  	v3 =	vand.u32 $0x7F, v5;
	[tilespmem:s25+$0xFFFFFF90] =	vst v6;
	v63 =	vld.idx.msk [tilespmem:v7+s2+$0x0], $0xffff  }
0x219: {  	v12 =	vand.u32 $0x7F, v61;
	[tilespmem:s23+$0x70] =	vst v4;
	v18 =	vld.idx.msk [tilespmem:v9+s2+$0x0], $0xffff  }
0x21a: {  	v9 =	vld [tilespmem:s25+$0x40];
	[tilespmem:s24+$0x60] =	vst v13  }
0x21b: {  	[tilespmem:s23+$0xFFFFFFE0] =	vst v0;
	v6 =	vld.idx.msk [tilespmem:v2+s2+$0x0], $0xffff  }
0x21c: {  	v8 =	vld.idx.msk [tilespmem:v8+s2+$0x0], $0xffff;
	[tilespmem:s24+$0xFFFFFFD0] =	vst v1  }
0x21d: {  	v4 =	vand.u32 $0x7F, v17;
	v0 =	vand.u32 $0x7F, v10;
	v5 =	vand.u32 $0x7F, v16;
	v7 =	vld.idx.msk [tilespmem:v3+s2+$0x0], $0xffff;
	[tilespmem:s25+$0x20] =	vst v63  }
0x21e: {  	s26 =	simm.s32 $0x4;
	s28 =	simm.s32 $0x6800;
	v2 =	vand.u32 $0x7F, v62;
	v1 =	vand.u32 $0x7F, v19;
	v3 =	vand.u32 $0x7F, v11;
	[tilespmem:s25+$0xFFFFFFA0] =	vst v18;
	v10 =	vld.idx.msk [tilespmem:v12+s2+$0x0], $0xffff  }
.LBB2_8:
0x21f: {  	v11 =	vld [tilespmem:s28+$0x0];
	s26 =	sadd.s32 $0x2, s26  }
0x220: {  	v12 =	vld [tilespmem:s28+$0xFFFFFF80];
	p0 =	slt.u32 s26, $0xC6;
	v9 =	vand.u32 $0x7F, v9;
	[tilespmem:s24+$0x70] =	vst v6  }
0x221: {  	v6 =	vld [tilespmem:s28+$0xFFFFFF90]  }
0x222: {  	v13 =	vld [tilespmem:s25+$0x50];
	[tilespmem:s24+$0xFFFFFFE0] =	vst v7  }
0x223: {  	v7 =	vld [tilespmem:s28+$0xFFFFFFA0];
	[tilespmem:s23+$0xFFFFFFF0] =	vst v8;
	s23 =	smov.u32 s24;
	s24 =	smov.u32 s25;
	s25 =	smov.u32 s28  }
0x224: {  	v8 =	vld [tilespmem:s28+$0xFFFFFFB0];
	v11 =	vand.u32 $0x7F, v11;
	[tilespmem:s24+$0x30] =	vst v10  }
0x225: {  	v10 =	vand.u32 $0x7F, v12;
	v9 =	vld.idx.msk [tilespmem:v9+s2+$0x0], $0xffff  }
0x226: {  	v6 =	vand.u32 $0x7F, v6;
	v12 =	vld [tilespmem:s28+$0x10]  }
0x227: {  	v14 =	vld.idx.msk [tilespmem:v5+s2+$0x0], $0xffff;
	v13 =	vand.u32 $0x7F, v13  }
0x228: {  	v7 =	vand.u32 $0x7F, v7;
	v15 =	vld [tilespmem:s24+$0x60]  }
0x229: {  	v5 =	vand.u32 $0x7F, v8;
	v8 =	vld.idx.msk [tilespmem:v11+s2+$0x0], $0xffff  }
0x22a: {  	v10 =	vld.idx.msk [tilespmem:v10+s2+$0x0], $0xffff  }
0x22b: {  	v11 =	vld [tilespmem:s28+$0xFFFFFFC0];
	v12 =	vand.u32 $0x7F, v12;
	[tilespmem:s24+$0x40] =	vst v9  }
0x22c: {  	v9 =	vld.idx.msk [tilespmem:v13+s2+$0x0], $0xffff  }
0x22d: {  	v13 =	vld [tilespmem:s28+$0x20];
	[tilespmem:s24+$0xFFFFFFB0] =	vst v14  }
0x22e: {  	v15 =	vand.u32 $0x7F, v15;
	v14 =	vld.idx.msk [tilespmem:v4+s2+$0x0], $0xffff  }
0x22f: {  	[tilespmem:s28+$0x0] =	vst v8;
	v8 =	vld [tilespmem:s24+$0x70]  }
0x230: {  	[tilespmem:s28+$0xFFFFFF80] =	vst v10;
	v4 =	vand.u32 $0x7F, v11;
	v10 =	vld.idx.msk [tilespmem:v12+s2+$0x0], $0xffff  }
0x231: {  	v6 =	vld.idx.msk [tilespmem:v6+s2+$0x0], $0xffff  }
0x232: {  	v11 =	vld [tilespmem:s28+$0xFFFFFFD0];
	v12 =	vand.u32 $0x7F, v13;
	[tilespmem:s24+$0x50] =	vst v9  }
0x233: {  	v9 =	vld.idx.msk [tilespmem:v15+s2+$0x0], $0xffff  }
0x234: {  	v13 =	vld [tilespmem:s28+$0x30];
	[tilespmem:s24+$0xFFFFFFC0] =	vst v14  }
0x235: {  	v8 =	vand.u32 $0x7F, v8;
	v14 =	vld.idx.msk [tilespmem:v3+s2+$0x0], $0xffff  }
0x236: {  	v15 =	vld [tilespmem:s28+$0xFFFFFFE0];
	[tilespmem:s28+$0x10] =	vst v10  }
0x237: {  	[tilespmem:s28+$0xFFFFFF90] =	vst v6;
	v3 =	vand.u32 $0x7F, v11;
	v10 =	vld.idx.msk [tilespmem:v12+s2+$0x0], $0xffff  }
0x238: {  	v11 =	vld.idx.msk [tilespmem:v7+s2+$0x0], $0xffff  }
0x239: {  	v12 =	vld [tilespmem:s28+$0xFFFFFFF0];
	v13 =	vand.u32 $0x7F, v13;
	[tilespmem:s24+$0x60] =	vst v9  }
.Ltmp3:
0x23a: {  	v6 =	vld.idx.msk [tilespmem:v8+s2+$0x0], $0xffff;
	(pc) =	sbr.rel @p0 .LBB2_8-.Ltmp3, $4  }
0x23b: {  	v8 =	vand.u32 $0x7F, v15;
	v9 =	vld [tilespmem:s28+$0x40];
	[tilespmem:s24+$0xFFFFFFD0] =	vst v14  }
0x23c: {  	v7 =	vld.idx.msk [tilespmem:v2+s2+$0x0], $0xffff;
	v2 =	vmov v8  }
0x23d: {  	[tilespmem:s28+$0x20] =	vst v10;
	v8 =	vld.idx.msk [tilespmem:v0+s2+$0x0], $0xffff;
	v0 =	vmov v1  }
0x23e: {  	s28 =	sadd.s32 $0x100, s28;
	[tilespmem:s25+$0xFFFFFFA0] =	vst v11;
	v1 =	vand.u32 $0x7F, v12;
	v10 =	vld.idx.msk [tilespmem:v13+s2+$0x0], $0xffff  }
0x23f: {  	_ =	sdelay $0x3  }
0x240: {  	v5 =	vld.idx.msk [tilespmem:v5+s2+$0x0], $0xffff;
	v9 =	vand.u32 $0x7F, v9  }
0x241: {  	v11 =	vld [tilespmem:s25+$0x50];
	_ =	sdelay $0x2  }
0x242: {  	[tilespmem:s25+$0x30] =	vst v10  }
0x243: {  	[tilespmem:s25+$0xFFFFFFB0] =	vst v5;
	v9 =	vld.idx.msk [tilespmem:v9+s2+$0x0], $0xffff  }
0x244: {  	v58 =	vand.u32 $0x7F, v11;
	v4 =	vld.idx.msk [tilespmem:v4+s2+$0x0], $0xffff  }
0x245: {  	v59 =	vld [tilespmem:s25+$0x60];
	_ =	sdelay $0x2  }
0x246: {  	[tilespmem:s25+$0x40] =	vst v9  }
0x247: {  	[tilespmem:s25+$0xFFFFFFC0] =	vst v4;
	v9 =	vld.idx.msk [tilespmem:v58+s2+$0x0], $0xffff  }
0x248: {  	v5 =	vand.u32 $0x7F, v59;
	v3 =	vld.idx.msk [tilespmem:v3+s2+$0x0], $0xffff  }
0x249: {  	v60 =	vld [tilespmem:s25+$0x70];
	_ =	sdelay $0x2  }
0x24a: {  	[tilespmem:s25+$0x50] =	vst v9  }
0x24b: {  	[tilespmem:s25+$0xFFFFFFD0] =	vst v3;
	v61 =	vld.idx.msk [tilespmem:v5+s2+$0x0], $0xffff  }
0x24c: {  	v62 =	vand.u32 $0x7F, v60;
	v2 =	vld.idx.msk [tilespmem:v2+s2+$0x0], $0xffff;
	_ =	sdelay $0x2  }
0x24d: {  	[tilespmem:s24+$0xFFFFFFE0] =	vst v7  }
0x24e: {  	v0 =	vld.idx.msk [tilespmem:v0+s2+$0x0], $0xffff;
	[tilespmem:s25+$0x60] =	vst v61  }
0x24f: {  	[tilespmem:s25+$0xFFFFFFE0] =	vst v2;
	v63 =	vld.idx.msk [tilespmem:v62+s2+$0x0], $0xffff  }
0x250: {  	v1 =	vld.idx.msk [tilespmem:v1+s2+$0x0], $0xffff  }
0x251: {  	[tilespmem:s24+$0x70] =	vst v6  }
0x252: {  	[tilespmem:s23+$0xFFFFFFF0] =	vst v8  }
0x253: {  	s22 =	sadd.s32 $0x1, s22;
	[tilespmem:s24+$0xFFFFFFF0] =	vst v0  }
0x254: {  	p0 =	sne.s32 s22, s12;
	[tilespmem:s25+$0x70] =	vst v63  }
.Ltmp4:
0x255: {  	[tilespmem:s25+$0xFFFFFFF0] =	vst v1;
	(pc) =	sbr.rel @p0 .LBB2_1-.Ltmp4, $4  }
0x256: {  	[hbm4b:s11+s13] =	stream.strided.scatter [tilespmem:s17], [sflag:$0x4], $0x6400, s14, s13, $0x38;
	[tilespmem:$0xC880] =	vst v63  }
0x257: {  	_ =	swait.ge [sflag:s21], $0x6400  }
0x258: {  	[sflag:s21] =	ssyncset.done $0x0  }
0x259: {  	[sflag:s21] =	ssyncadd.s32 $0xFFFF9C00  }
0x25a: {  	_ =	sfence.sel $0x180000  }
0x25b: {  	[bflag:$0x0] =	sbarrier.arrive $0xFFFF  }
0x25c: {  	p0 =	sne.s32 s1, $0x0;
	_ =	strace $0x90000047  }
0x25d: {  	s0 =	sadd.s32 @!p0 $0x100000, s0;
	[bflag:$0x2] =	sbarrier.arrive $0xFFFF  }
0x25e: {  	[sflag:s0] =	ssyncadd.tile.s32 @!p0 $0x1;
	_ =	shalt  }
.Lfunc_end2:
_tile_overlayer_lowered:
.L_overlay_start_2:
0x25f: {  	(tag) =	ssettag $0x2  }
0x260: {  	s0 =	rddreg [dreg:$0x0];
	s2 =	stileid.u32  }
0x261: {  	s1 =	rddreg [dreg:$0x1];
	p0 =	sne.s32 s2, $0x0  }
0x262: {  	s3 =	rddreg [dreg:$0x2];
	[bflag:$0x3] =	sbarrier.arrive $0xFFFF;
	s2 =	simm.s32 @!p0 $0x1C05  }
0x263: {  	[timem:s3], [sflag:s2] =	dma.local @!p0 [hbm:s0], s1  }
0x264: {  	s0 =	simm.s32 @!p0 $0x5  }
0x265: {  	_ =	swait.ge @!p0 [sflag:s0], s1  }
0x266: {  	s1 =	ssub.s32 @!p0 $0x0, s1;
	[sflag:s0] =	ssyncset.done @!p0 $0x0  }
0x267: {  	[sflag:s0] =	ssyncadd.s32 @!p0 s1  }
0x268: {  	[bflag:$0x3] =	sbarrier.arrive $0xFFFF  }
0x269: {  	_ =	shalt  }

</sc_bundles>
